<compile_context>
chip_gen: v7x
topology: tpu7x:2x2x1
jax: 0.10.2.dev20260603
libtpu: 0.0.44.dev20260713+nightly
codegen_flags: <defaults>
</compile_context>

<pallas_src>
import functools

import jax
import jax.numpy as jnp
from jax import lax
from jax.experimental import pallas as pl
from jax.experimental.pallas import tpu as pltpu
from jax.experimental.pallas import tpu_sc as plsc

N = 10000
E = 320000
D = 128
C = 128
DE = 16
EE = 4
NEG_SLOPE = 0.2

NW = 32
K = 128
NCHUNK = 80
EPW = K * NCHUNK
E_PAD = NW * EPW
N_PAD = 10240
RPS = N_PAD // 16


def _a1_body(x_ref, w_ref, ai_ref, aj_ref, xp_ref, si_ref, sj_ref,
             mi_ref, mj_ref):
    xp = jnp.dot(x_ref[...], w_ref[...], preferred_element_type=jnp.float32)
    xp_ref[...] = xp
    si = jnp.sum(xp * ai_ref[...], axis=1, keepdims=True)
    sj = jnp.sum(xp * aj_ref[...], axis=1, keepdims=True)
    si_ref[...] = si
    sj_ref[...] = sj
    mi_ref[...] = jnp.broadcast_to(jnp.max(si), (1, 1, 8))
    mj_ref[...] = jnp.broadcast_to(jnp.max(sj), (1, 1, 8))


def _a2_body(ea_ref, we_ref, ae_ref, esc_ref, me_ref):
    wv = jnp.sum(we_ref[...] * ae_ref[...], axis=1)
    esc = jnp.sum(ea_ref[...] * wv[None, :], axis=1, keepdims=True)
    esc_ref[...] = esc
    me_ref[...] = jnp.broadcast_to(jnp.max(esc), (1, 1, 8))


def _c_body(num_ref, den_ref, b_ref, out_ref):
    s = num_ref[0] + num_ref[1]
    d = den_ref[0] + den_ref[1]
    out_ref[...] = s / (d + 1e-16) + b_ref[...]


def _sc_body(src_hbm, dst_hbm, esc_hbm, si_hbm, sj_hbm, b16_hbm, xp_hbm,
             num_out, den_out,
             si_v, sj_v, b16_v, src_f, dst_f, esc_f, w_c,
             rows2, num_s, den_s, sem):
    c = lax.axis_index("c")
    s = lax.axis_index("s")
    wid = s * 2 + c

    pltpu.sync_copy(si_hbm, si_v)
    pltpu.sync_copy(sj_hbm, sj_v)
    pltpu.sync_copy(b16_hbm, b16_v)

    zv = jnp.zeros((16,), jnp.float32)

    def zbody(r, _):
        w_c[pl.ds(r * 16, 16)] = zv

        def zrow(jj, _2):
            rows2[2 * r, pl.ds(jj * 16, 16)] = zv
            rows2[2 * r + 1, pl.ds(jj * 16, 16)] = zv
            return 0

        lax.fori_loop(0, 8, zrow, 0)
        return 0

    lax.fori_loop(0, K // 2, zbody, 0)
    for t in range(RPS // K):
        pltpu.sync_copy(rows2, num_s.at[pl.ds(s * RPS + t * K, K)])
        pltpu.sync_copy(w_c, den_s.at[pl.ds(s * RPS + t * K, K)])
    plsc.subcore_barrier()

    bv = b16_v[...]
    ebase = wid * EPW

    def chunk(i, carry):
        off = ebase + i * K
        pltpu.sync_copy(src_hbm.at[pl.ds(off, K)], src_f)
        cp = pltpu.async_copy(xp_hbm.at[src_f], rows2, sem)
        pltpu.sync_copy(dst_hbm.at[pl.ds(off, K)], dst_f)
        pltpu.sync_copy(esc_hbm.at[pl.ds(off, K)], esc_f)

        def wbody(j, _):
            sl = pl.ds(j * 16, 16)
            gi = plsc.load_gather(si_v, [dst_f[sl]])
            gj = plsc.load_gather(sj_v, [src_f[sl]])
            a = gi + gj + esc_f[sl]
            a = jnp.where(a >= 0.0, a, a * NEG_SLOPE)
            w_c[sl] = jnp.exp(a - bv)
            return 0

        lax.fori_loop(0, K // 16, wbody, 0)
        cp.wait()

        def sbody(r, _):
            idx = jnp.full((16,), r, jnp.int32)
            wv = plsc.load_gather(w_c, [idx])
            for jj in range(8):
                sl = pl.ds(jj * 16, 16)
                rows2[r, sl] = rows2[r, sl] * wv
            return 0

        lax.fori_loop(0, K, sbody, 0)
        pltpu.sync_copy(rows2, num_s.at[dst_f], add=True)
        pltpu.sync_copy(w_c, den_s.at[dst_f], add=True)
        return 0

    lax.fori_loop(0, NCHUNK, chunk, 0)
    plsc.subcore_barrier()

    pltpu.sync_copy(num_s.at[pl.ds(s * RPS, RPS)],
                    num_out.at[c, pl.ds(s * RPS, RPS)])

    @pl.when(s == 0)
    def _():
        pltpu.sync_copy(den_s, den_out.at[c, 0])


_sc_call = functools.partial(
    pl.kernel,
    out_type=[
        jax.ShapeDtypeStruct((2, N_PAD, C), jnp.float32),
        jax.ShapeDtypeStruct((2, 1, N_PAD), jnp.float32),
    ],
    mesh=plsc.VectorSubcoreMesh(core_axis_name="c", subcore_axis_name="s"),
    compiler_params=pltpu.CompilerParams(needs_layout_passes=False),
    scratch_types=[
        pltpu.VMEM((N,), jnp.float32),
        pltpu.VMEM((N,), jnp.float32),
        pltpu.VMEM((16,), jnp.float32),
        pltpu.VMEM((K,), jnp.int32),
        pltpu.VMEM((K,), jnp.int32),
        pltpu.VMEM((K,), jnp.float32),
        pltpu.VMEM((K,), jnp.float32),
        pltpu.VMEM((K, C), jnp.float32),
        pltpu.VMEM_SHARED((N_PAD, C), jnp.float32),
        pltpu.VMEM_SHARED((N_PAD,), jnp.float32),
        pltpu.SemaphoreType.DMA,
    ],
)(_sc_body)


def kernel(x, edge_index, edge_attr, W, We, att, b):
    ai = att[0, :, :C].astype(jnp.float32)
    aj = att[0, :, C:2 * C].astype(jnp.float32)
    ae = att[0, :, 2 * C:].astype(jnp.float32)

    xp, si, sj, mi, mj = pl.pallas_call(
        _a1_body,
        grid=(25,),
        in_specs=[
            pl.BlockSpec((400, D), lambda i: (i, 0)),
            pl.BlockSpec((D, C), lambda i: (0, 0)),
            pl.BlockSpec((1, C), lambda i: (0, 0)),
            pl.BlockSpec((1, C), lambda i: (0, 0)),
        ],
        out_specs=[
            pl.BlockSpec((400, C), lambda i: (i, 0)),
            pl.BlockSpec((400, 1), lambda i: (i, 0)),
            pl.BlockSpec((400, 1), lambda i: (i, 0)),
            pl.BlockSpec((1, 1, 8), lambda i: (i, 0, 0)),
            pl.BlockSpec((1, 1, 8), lambda i: (i, 0, 0)),
        ],
        out_shape=[
            jax.ShapeDtypeStruct((N, C), jnp.float32),
            jax.ShapeDtypeStruct((N, 1), jnp.float32),
            jax.ShapeDtypeStruct((N, 1), jnp.float32),
            jax.ShapeDtypeStruct((25, 1, 8), jnp.float32),
            jax.ShapeDtypeStruct((25, 1, 8), jnp.float32),
        ],
    )(x, W, ai, aj)

    esc, me = pl.pallas_call(
        _a2_body,
        grid=(50,),
        in_specs=[
            pl.BlockSpec((6400, DE), lambda i: (i, 0)),
            pl.BlockSpec((DE, EE), lambda i: (0, 0)),
            pl.BlockSpec((1, EE), lambda i: (0, 0)),
        ],
        out_specs=[
            pl.BlockSpec((6400, 1), lambda i: (i, 0)),
            pl.BlockSpec((1, 1, 8), lambda i: (i, 0, 0)),
        ],
        out_shape=[
            jax.ShapeDtypeStruct((E, 1), jnp.float32),
            jax.ShapeDtypeStruct((50, 1, 8), jnp.float32),
        ],
    )(edge_attr, We, ae)

    braw = jnp.max(mi) + jnp.max(mj) + jnp.max(me)
    bnd = jnp.where(braw >= 0.0, braw, braw * NEG_SLOPE)
    b16 = jnp.full((16,), bnd, jnp.float32)

    pad = E_PAD - E
    ipad = jnp.zeros((pad,), jnp.int32)
    src = jnp.concatenate([edge_index[0].astype(jnp.int32), ipad])
    dst = jnp.concatenate([edge_index[1].astype(jnp.int32), ipad])
    escp = jnp.concatenate([esc.reshape(E),
                            jnp.full((pad,), -1e30, jnp.float32)])

    num2, den2 = _sc_call(
        src, dst, escp, si.reshape(N), sj.reshape(N), b16, xp,
    )

    out = pl.pallas_call(
        _c_body,
        grid=(25,),
        in_specs=[
            pl.BlockSpec((2, 400, C), lambda i: (0, i, 0)),
            pl.BlockSpec((2, 400, 1), lambda i: (0, i, 0)),
            pl.BlockSpec((1, C), lambda i: (0, 0)),
        ],
        out_specs=pl.BlockSpec((400, C), lambda i: (i, 0)),
        out_shape=jax.ShapeDtypeStruct((N, C), jnp.float32),
    )(num2[:, :N], den2.reshape(2, N_PAD, 1)[:, :N], b.reshape(1, C))
    return out

# --- scband reference (transcript-rebuilt; emitter-appended) ---
"""Pipeline reference for scband-tqnet-old-16037407883354 (READ-ONLY COPY).

The authoritative reference and input builder live on the scoring server;
editing this copy changes nothing except your own understanding.
"""

import jax, jax.numpy as jnp
import numpy as np

N = 10000
E = 320000
D = 128
DE = 16
H = 1
C = 128
EE = 4
NEG_SLOPE = 0.2


def setup_inputs(seed: int = 0) -> dict:
    key = jax.random.key(seed)
    k1, k2, k3, k4, k5, k6 = jax.random.split(key, 6)
    x = jax.random.normal(k1, (N, D), dtype=jnp.float32)
    edge_index = jax.random.randint(k2, (2, E), 0, N, dtype=jnp.int64)
    edge_attr = jax.random.uniform(k3, (E, DE), dtype=jnp.float32)
    # learned parameters (glorot-ish scale)
    W = jax.random.normal(k4, (D, H * C), dtype=jnp.float32) * (1.0 / np.sqrt(D))
    We = jax.random.normal(k5, (DE, H * EE), dtype=jnp.float32) * (1.0 / np.sqrt(DE))
    att = jax.random.normal(k6, (1, H, 2 * C + EE), dtype=jnp.float32) * 0.05
    b = jnp.zeros((H * C,), dtype=jnp.float32)
    return {"x": x, "edge_index": edge_index, "edge_attr": edge_attr,
            "W": W, "We": We, "att": att, "b": b}


def reference(x, edge_index, edge_attr, W, We, att, b):
    # CATConv forward (heads=1, concat=True, dropout inactive at eval)
    xp = x @ W                       # [N, H*C]
    ea = edge_attr @ We              # [E, H*EE]
    src = edge_index[0]              # j (source)
    dst = edge_index[1]              # i (target) -- PyG source_to_target flow
    x_j = jnp.take(xp, src, axis=0).reshape(-1, H, C)
    x_i = jnp.take(xp, dst, axis=0).reshape(-1, H, C)
    e = ea.reshape(-1, H, EE)
    alpha = (jnp.concatenate([x_i, x_j, e], axis=-1) * att).sum(axis=-1)   # [E, H]
    alpha = jnp.where(alpha >= 0, alpha, NEG_SLOPE * alpha)                # leaky_relu
    # segment softmax over incoming edges of each dst node
    amax = jax.ops.segment_max(alpha, dst, num_segments=N)
    amax = jnp.where(jnp.isfinite(amax), amax, 0.0)
    amax = jax.lax.stop_gradient(amax)
    ex = jnp.exp(alpha - jnp.take(amax, dst, axis=0))
    denom = jax.ops.segment_sum(ex, dst, num_segments=N)
    alpha = ex / (jnp.take(denom, dst, axis=0) + 1e-16)
    msg = x_j * alpha[..., None]                                           # [E, H, C]
    out = jax.ops.segment_sum(msg, dst, num_segments=N)                    # [N, H, C]
    out = out.reshape(N, H * C) + b
    return out

if __name__ == "__main__":
    import jax
    _d = setup_inputs()
    print(jax.jit(kernel)(*tuple(_d.values())))

</pallas_src>

<mosaic_0001>
#map = affine_map<(d0, d1) -> (0)>
#map1 = affine_map<(d0, d1) -> (0, 0)>
#map2 = affine_map<(d0, d1) -> (0, 0, 0)>
module attributes {stable_mosaic.version = 14 : i64} {
  func.func @_sc_body(%arg0: i32, %arg1: i32, %arg2: memref<327680xi32, #tpu.memory_space<hbm>>, %arg3: memref<327680xi32, #tpu.memory_space<hbm>>, %arg4: memref<327680xf32, #tpu.memory_space<hbm>>, %arg5: memref<10000xf32, #tpu.memory_space<hbm>>, %arg6: memref<10000xf32, #tpu.memory_space<hbm>>, %arg7: memref<16xf32, #tpu.memory_space<hbm>>, %arg8: memref<10000x128xf32, #tpu.memory_space<hbm>>, %arg9: memref<2x10240x128xf32, #tpu.memory_space<hbm>>, %arg10: memref<2x1x10240xf32, #tpu.memory_space<hbm>>, %arg11: memref<10000xf32, #tpu.memory_space<vmem>>, %arg12: memref<10000xf32, #tpu.memory_space<vmem>>, %arg13: memref<16xf32, #tpu.memory_space<vmem>>, %arg14: memref<128xi32, #tpu.memory_space<vmem>>, %arg15: memref<128xi32, #tpu.memory_space<vmem>>, %arg16: memref<128xf32, #tpu.memory_space<vmem>>, %arg17: memref<128xf32, #tpu.memory_space<vmem>>, %arg18: memref<128x128xf32, #tpu.memory_space<vmem>>, %arg19: memref<10240x128xf32, #tpu.memory_space<vmem_shared>>, %arg20: memref<10240xf32, #tpu.memory_space<vmem_shared>>, %arg21: memref<!tpu.dma_semaphore, #tpu.memory_space<semaphore_mem>>) attributes {dimension_semantics = [#tpu.dimension_semantics<core_parallel>, #tpu.dimension_semantics<subcore_parallel>], iteration_bounds = array<i64: 2, 16>, scalar_prefetch = 0 : i64, scratch_operands = 11 : i64, tpu.core_type = #tpu.core_type<sc_vector_subcore>, window_params = [{transform_indices = #map}, {transform_indices = #map}, {transform_indices = #map}, {transform_indices = #map}, {transform_indices = #map}, {transform_indices = #map}, {transform_indices = #map1}, {transform_indices = #map2}, {transform_indices = #map2}]} {
    %mul3A = arith.constant 2 : i32
    %mul3A_0 = arith.muli %arg1, %mul3A : i32
    %add3A = arith.addi %mul3A_0, %arg0 : i32
    "tpu.region"() ({
      %run_scoped3A = tpu.sem_alloc : memref<!tpu.dma_semaphore, #tpu.memory_space<semaphore_mem>>
      tpu.enqueue_dma source(%arg5 : memref<10000xf32, #tpu.memory_space<hbm>>) target(%arg11 : memref<10000xf32, #tpu.memory_space<vmem>>) target_semaphore(%run_scoped3A : memref<!tpu.dma_semaphore, #tpu.memory_space<semaphore_mem>>)
      tpu.wait_dma2 semaphore(%run_scoped3A : memref<!tpu.dma_semaphore, #tpu.memory_space<semaphore_mem>>) src(%arg5 : memref<10000xf32, #tpu.memory_space<hbm>>) dst(%arg11 : memref<10000xf32, #tpu.memory_space<vmem>>)
      tpu.yield
    }) : () -> ()
    "tpu.region"() ({
      %run_scoped3A = tpu.sem_alloc : memref<!tpu.dma_semaphore, #tpu.memory_space<semaphore_mem>>
      tpu.enqueue_dma source(%arg6 : memref<10000xf32, #tpu.memory_space<hbm>>) target(%arg12 : memref<10000xf32, #tpu.memory_space<vmem>>) target_semaphore(%run_scoped3A : memref<!tpu.dma_semaphore, #tpu.memory_space<semaphore_mem>>)
      tpu.wait_dma2 semaphore(%run_scoped3A : memref<!tpu.dma_semaphore, #tpu.memory_space<semaphore_mem>>) src(%arg6 : memref<10000xf32, #tpu.memory_space<hbm>>) dst(%arg12 : memref<10000xf32, #tpu.memory_space<vmem>>)
      tpu.yield
    }) : () -> ()
    "tpu.region"() ({
      %run_scoped3A = tpu.sem_alloc : memref<!tpu.dma_semaphore, #tpu.memory_space<semaphore_mem>>
      tpu.enqueue_dma source(%arg7 : memref<16xf32, #tpu.memory_space<hbm>>) target(%arg13 : memref<16xf32, #tpu.memory_space<vmem>>) target_semaphore(%run_scoped3A : memref<!tpu.dma_semaphore, #tpu.memory_space<semaphore_mem>>)
      tpu.wait_dma2 semaphore(%run_scoped3A : memref<!tpu.dma_semaphore, #tpu.memory_space<semaphore_mem>>) src(%arg7 : memref<16xf32, #tpu.memory_space<hbm>>) dst(%arg13 : memref<16xf32, #tpu.memory_space<vmem>>)
      tpu.yield
    }) : () -> ()
    %broadcast_in_dim3A = arith.constant 0.000000e+00 : f32
    %broadcast_in_dim3A_1 = vector.broadcast %broadcast_in_dim3A : f32 to vector<16xf32>
    %scan3A = arith.constant 0 : i32
    %scan3A_2 = arith.constant 0 : i32
    %scan3A_3 = arith.constant 64 : i32
    %scan3A_4 = arith.addi %scan3A_2, %scan3A_3 : i32
    %scan3A_5 = arith.constant 1 : i32
    %scan3A_6 = scf.for %scan3A_65 = %scan3A_2 to %scan3A_4 step %scan3A_5 iter_args(%scan3A_66 = %scan3A) -> (i32)  : i32 {
      %mul3A_67 = arith.constant 16 : i32
      %mul3A_68 = arith.muli %scan3A_65, %mul3A_67 : i32
      %swap3A = arith.index_cast %mul3A_68 : i32 to index
      %swap3A_69 = tpu.vector_load %arg17[%swap3A] {strides = array<i32>} : memref<128xf32, #tpu.memory_space<vmem>>, vector<16xf32>,
      tpu.vector_store %arg17[%swap3A], %broadcast_in_dim3A_1 {strides = array<i32>} : memref<128xf32, #tpu.memory_space<vmem>>, vector<16xf32>,
      %scan3A_70 = arith.constant 0 : i32
      %scan3A_71 = arith.constant 0 : i32
      %scan3A_72 = arith.constant 8 : i32
      %scan3A_73 = arith.addi %scan3A_71, %scan3A_72 : i32
      %scan3A_74 = arith.constant 1 : i32
      %scan3A_75 = scf.for %scan3A_78 = %scan3A_71 to %scan3A_73 step %scan3A_74 iter_args(%scan3A_79 = %scan3A_70) -> (i32)  : i32 {
        %mul3A_80 = arith.constant 2 : i32
        %mul3A_81 = arith.muli %mul3A_80, %scan3A_65 : i32
        %mul3A_82 = arith.constant 16 : i32
        %mul3A_83 = arith.muli %scan3A_78, %mul3A_82 : i32
        %swap3A_84 = arith.index_cast %mul3A_81 : i32 to index
        %swap3A_85 = arith.index_cast %mul3A_83 : i32 to index
        %swap3A_86 = tpu.vector_load %arg18[%swap3A_84, %swap3A_85] {strides = array<i32>} : memref<128x128xf32, #tpu.memory_space<vmem>>, vector<16xf32>,
        tpu.vector_store %arg18[%swap3A_84, %swap3A_85], %broadcast_in_dim3A_1 {strides = array<i32>} : memref<128x128xf32, #tpu.memory_space<vmem>>, vector<16xf32>,
        %mul3A_87 = arith.constant 2 : i32
        %mul3A_88 = arith.muli %mul3A_87, %scan3A_65 : i32
        %add3A_89 = arith.constant 1 : i32
        %add3A_90 = arith.addi %mul3A_88, %add3A_89 : i32
        %mul3A_91 = arith.constant 16 : i32
        %mul3A_92 = arith.muli %scan3A_78, %mul3A_91 : i32
        %swap3A_93 = arith.index_cast %add3A_90 : i32 to index
        %swap3A_94 = arith.index_cast %mul3A_92 : i32 to index
        %swap3A_95 = tpu.vector_load %arg18[%swap3A_93, %swap3A_94] {strides = array<i32>} : memref<128x128xf32, #tpu.memory_space<vmem>>, vector<16xf32>,
        tpu.vector_store %arg18[%swap3A_93, %swap3A_94], %broadcast_in_dim3A_1 {strides = array<i32>} : memref<128x128xf32, #tpu.memory_space<vmem>>, vector<16xf32>,
        %scan3A_96 = arith.constant 0 : i32
        scf.yield %scan3A_96 : i32
      }
      %scan3A_76 = arith.constant 8 : i32
      %scan3A_77 = arith.constant 0 : i32
      scf.yield %scan3A_77 : i32
    }
    %scan3A_7 = arith.constant 64 : i32
    %mul3A_8 = arith.constant 640 : i32
    %mul3A_9 = arith.muli %arg1, %mul3A_8 : i32
    %add3A_10 = arith.constant 0 : i32
    %add3A_11 = arith.addi %mul3A_9, %add3A_10 : i32
    "tpu.region"() ({
      %run_scoped3A = tpu.sem_alloc : memref<!tpu.dma_semaphore, #tpu.memory_space<semaphore_mem>>
      %dma_start3A = arith.constant 0 : i32
      %dma_start3A_65 = tpu.memref_slice %arg19[%add3A_11, %dma_start3A] : memref<10240x128xf32, #tpu.memory_space<vmem_shared>> -> memref<128x128xf32, #tpu.memory_space<vmem_shared>>
      %dma_start3A_66 = arith.constant 0 : i32
      %dma_start3A_67 = tpu.memref_slice %arg19[%add3A_11, %dma_start3A_66] : memref<10240x128xf32, #tpu.memory_space<vmem_shared>> -> memref<128x128xf32, #tpu.memory_space<vmem_shared>>
      tpu.enqueue_dma source(%arg18 : memref<128x128xf32, #tpu.memory_space<vmem>>) target(%dma_start3A_67 : memref<128x128xf32, #tpu.memory_space<vmem_shared>>) target_semaphore(%run_scoped3A : memref<!tpu.dma_semaphore, #tpu.memory_space<semaphore_mem>>)
      %dma_wait3A = arith.constant 0 : i32
      %dma_wait3A_68 = tpu.memref_slice %arg19[%add3A_11, %dma_wait3A] : memref<10240x128xf32, #tpu.memory_space<vmem_shared>> -> memref<128x128xf32, #tpu.memory_space<vmem_shared>>
      %dma_wait3A_69 = arith.constant 0 : i32
      %dma_wait3A_70 = tpu.memref_slice %arg19[%add3A_11, %dma_wait3A_69] : memref<10240x128xf32, #tpu.memory_space<vmem_shared>> -> memref<128x128xf32, #tpu.memory_space<vmem_shared>>
      tpu.wait_dma2 semaphore(%run_scoped3A : memref<!tpu.dma_semaphore, #tpu.memory_space<semaphore_mem>>) src(%arg18 : memref<128x128xf32, #tpu.memory_space<vmem>>) dst(%dma_wait3A_70 : memref<128x128xf32, #tpu.memory_space<vmem_shared>>)
      tpu.yield
    }) : () -> ()
    %mul3A_12 = arith.constant 640 : i32
    %mul3A_13 = arith.muli %arg1, %mul3A_12 : i32
    %add3A_14 = arith.constant 0 : i32
    %add3A_15 = arith.addi %mul3A_13, %add3A_14 : i32
    "tpu.region"() ({
      %run_scoped3A = tpu.sem_alloc : memref<!tpu.dma_semaphore, #tpu.memory_space<semaphore_mem>>
      %dma_start3A = tpu.memref_slice %arg20[%add3A_15] : memref<10240xf32, #tpu.memory_space<vmem_shared>> -> memref<128xf32, #tpu.memory_space<vmem_shared>>
      %dma_start3A_65 = tpu.memref_slice %arg20[%add3A_15] : memref<10240xf32, #tpu.memory_space<vmem_shared>> -> memref<128xf32, #tpu.memory_space<vmem_shared>>
      tpu.enqueue_dma source(%arg17 : memref<128xf32, #tpu.memory_space<vmem>>) target(%dma_start3A_65 : memref<128xf32, #tpu.memory_space<vmem_shared>>) target_semaphore(%run_scoped3A : memref<!tpu.dma_semaphore, #tpu.memory_space<semaphore_mem>>)
      %dma_wait3A = tpu.memref_slice %arg20[%add3A_15] : memref<10240xf32, #tpu.memory_space<vmem_shared>> -> memref<128xf32, #tpu.memory_space<vmem_shared>>
      %dma_wait3A_66 = tpu.memref_slice %arg20[%add3A_15] : memref<10240xf32, #tpu.memory_space<vmem_shared>> -> memref<128xf32, #tpu.memory_space<vmem_shared>>
      tpu.wait_dma2 semaphore(%run_scoped3A : memref<!tpu.dma_semaphore, #tpu.memory_space<semaphore_mem>>) src(%arg17 : memref<128xf32, #tpu.memory_space<vmem>>) dst(%dma_wait3A_66 : memref<128xf32, #tpu.memory_space<vmem_shared>>)
      tpu.yield
    }) : () -> ()
    %mul3A_16 = arith.constant 640 : i32
    %mul3A_17 = arith.muli %arg1, %mul3A_16 : i32
    %add3A_18 = arith.constant 128 : i32
    %add3A_19 = arith.addi %mul3A_17, %add3A_18 : i32
    "tpu.region"() ({
      %run_scoped3A = tpu.sem_alloc : memref<!tpu.dma_semaphore, #tpu.memory_space<semaphore_mem>>
      %dma_start3A = arith.constant 0 : i32
      %dma_start3A_65 = tpu.memref_slice %arg19[%add3A_19, %dma_start3A] : memref<10240x128xf32, #tpu.memory_space<vmem_shared>> -> memref<128x128xf32, #tpu.memory_space<vmem_shared>>
      %dma_start3A_66 = arith.constant 0 : i32
      %dma_start3A_67 = tpu.memref_slice %arg19[%add3A_19, %dma_start3A_66] : memref<10240x128xf32, #tpu.memory_space<vmem_shared>> -> memref<128x128xf32, #tpu.memory_space<vmem_shared>>
      tpu.enqueue_dma source(%arg18 : memref<128x128xf32, #tpu.memory_space<vmem>>) target(%dma_start3A_67 : memref<128x128xf32, #tpu.memory_space<vmem_shared>>) target_semaphore(%run_scoped3A : memref<!tpu.dma_semaphore, #tpu.memory_space<semaphore_mem>>)
      %dma_wait3A = arith.constant 0 : i32
      %dma_wait3A_68 = tpu.memref_slice %arg19[%add3A_19, %dma_wait3A] : memref<10240x128xf32, #tpu.memory_space<vmem_shared>> -> memref<128x128xf32, #tpu.memory_space<vmem_shared>>
      %dma_wait3A_69 = arith.constant 0 : i32
      %dma_wait3A_70 = tpu.memref_slice %arg19[%add3A_19, %dma_wait3A_69] : memref<10240x128xf32, #tpu.memory_space<vmem_shared>> -> memref<128x128xf32, #tpu.memory_space<vmem_shared>>
      tpu.wait_dma2 semaphore(%run_scoped3A : memref<!tpu.dma_semaphore, #tpu.memory_space<semaphore_mem>>) src(%arg18 : memref<128x128xf32, #tpu.memory_space<vmem>>) dst(%dma_wait3A_70 : memref<128x128xf32, #tpu.memory_space<vmem_shared>>)
      tpu.yield
    }) : () -> ()
    %mul3A_20 = arith.constant 640 : i32
    %mul3A_21 = arith.muli %arg1, %mul3A_20 : i32
    %add3A_22 = arith.constant 128 : i32
    %add3A_23 = arith.addi %mul3A_21, %add3A_22 : i32
    "tpu.region"() ({
      %run_scoped3A = tpu.sem_alloc : memref<!tpu.dma_semaphore, #tpu.memory_space<semaphore_mem>>
      %dma_start3A = tpu.memref_slice %arg20[%add3A_23] : memref<10240xf32, #tpu.memory_space<vmem_shared>> -> memref<128xf32, #tpu.memory_space<vmem_shared>>
      %dma_start3A_65 = tpu.memref_slice %arg20[%add3A_23] : memref<10240xf32, #tpu.memory_space<vmem_shared>> -> memref<128xf32, #tpu.memory_space<vmem_shared>>
      tpu.enqueue_dma source(%arg17 : memref<128xf32, #tpu.memory_space<vmem>>) target(%dma_start3A_65 : memref<128xf32, #tpu.memory_space<vmem_shared>>) target_semaphore(%run_scoped3A : memref<!tpu.dma_semaphore, #tpu.memory_space<semaphore_mem>>)
      %dma_wait3A = tpu.memref_slice %arg20[%add3A_23] : memref<10240xf32, #tpu.memory_space<vmem_shared>> -> memref<128xf32, #tpu.memory_space<vmem_shared>>
      %dma_wait3A_66 = tpu.memref_slice %arg20[%add3A_23] : memref<10240xf32, #tpu.memory_space<vmem_shared>> -> memref<128xf32, #tpu.memory_space<vmem_shared>>
      tpu.wait_dma2 semaphore(%run_scoped3A : memref<!tpu.dma_semaphore, #tpu.memory_space<semaphore_mem>>) src(%arg17 : memref<128xf32, #tpu.memory_space<vmem>>) dst(%dma_wait3A_66 : memref<128xf32, #tpu.memory_space<vmem_shared>>)
      tpu.yield
    }) : () -> ()
    %mul3A_24 = arith.constant 640 : i32
    %mul3A_25 = arith.muli %arg1, %mul3A_24 : i32
    %add3A_26 = arith.constant 256 : i32
    %add3A_27 = arith.addi %mul3A_25, %add3A_26 : i32
    "tpu.region"() ({
      %run_scoped3A = tpu.sem_alloc : memref<!tpu.dma_semaphore, #tpu.memory_space<semaphore_mem>>
      %dma_start3A = arith.constant 0 : i32
      %dma_start3A_65 = tpu.memref_slice %arg19[%add3A_27, %dma_start3A] : memref<10240x128xf32, #tpu.memory_space<vmem_shared>> -> memref<128x128xf32, #tpu.memory_space<vmem_shared>>
      %dma_start3A_66 = arith.constant 0 : i32
      %dma_start3A_67 = tpu.memref_slice %arg19[%add3A_27, %dma_start3A_66] : memref<10240x128xf32, #tpu.memory_space<vmem_shared>> -> memref<128x128xf32, #tpu.memory_space<vmem_shared>>
      tpu.enqueue_dma source(%arg18 : memref<128x128xf32, #tpu.memory_space<vmem>>) target(%dma_start3A_67 : memref<128x128xf32, #tpu.memory_space<vmem_shared>>) target_semaphore(%run_scoped3A : memref<!tpu.dma_semaphore, #tpu.memory_space<semaphore_mem>>)
      %dma_wait3A = arith.constant 0 : i32
      %dma_wait3A_68 = tpu.memref_slice %arg19[%add3A_27, %dma_wait3A] : memref<10240x128xf32, #tpu.memory_space<vmem_shared>> -> memref<128x128xf32, #tpu.memory_space<vmem_shared>>
      %dma_wait3A_69 = arith.constant 0 : i32
      %dma_wait3A_70 = tpu.memref_slice %arg19[%add3A_27, %dma_wait3A_69] : memref<10240x128xf32, #tpu.memory_space<vmem_shared>> -> memref<128x128xf32, #tpu.memory_space<vmem_shared>>
      tpu.wait_dma2 semaphore(%run_scoped3A : memref<!tpu.dma_semaphore, #tpu.memory_space<semaphore_mem>>) src(%arg18 : memref<128x128xf32, #tpu.memory_space<vmem>>) dst(%dma_wait3A_70 : memref<128x128xf32, #tpu.memory_space<vmem_shared>>)
      tpu.yield
    }) : () -> ()
    %mul3A_28 = arith.constant 640 : i32
    %mul3A_29 = arith.muli %arg1, %mul3A_28 : i32
    %add3A_30 = arith.constant 256 : i32
    %add3A_31 = arith.addi %mul3A_29, %add3A_30 : i32
    "tpu.region"() ({
      %run_scoped3A = tpu.sem_alloc : memref<!tpu.dma_semaphore, #tpu.memory_space<semaphore_mem>>
      %dma_start3A = tpu.memref_slice %arg20[%add3A_31] : memref<10240xf32, #tpu.memory_space<vmem_shared>> -> memref<128xf32, #tpu.memory_space<vmem_shared>>
      %dma_start3A_65 = tpu.memref_slice %arg20[%add3A_31] : memref<10240xf32, #tpu.memory_space<vmem_shared>> -> memref<128xf32, #tpu.memory_space<vmem_shared>>
      tpu.enqueue_dma source(%arg17 : memref<128xf32, #tpu.memory_space<vmem>>) target(%dma_start3A_65 : memref<128xf32, #tpu.memory_space<vmem_shared>>) target_semaphore(%run_scoped3A : memref<!tpu.dma_semaphore, #tpu.memory_space<semaphore_mem>>)
      %dma_wait3A = tpu.memref_slice %arg20[%add3A_31] : memref<10240xf32, #tpu.memory_space<vmem_shared>> -> memref<128xf32, #tpu.memory_space<vmem_shared>>
      %dma_wait3A_66 = tpu.memref_slice %arg20[%add3A_31] : memref<10240xf32, #tpu.memory_space<vmem_shared>> -> memref<128xf32, #tpu.memory_space<vmem_shared>>
      tpu.wait_dma2 semaphore(%run_scoped3A : memref<!tpu.dma_semaphore, #tpu.memory_space<semaphore_mem>>) src(%arg17 : memref<128xf32, #tpu.memory_space<vmem>>) dst(%dma_wait3A_66 : memref<128xf32, #tpu.memory_space<vmem_shared>>)
      tpu.yield
    }) : () -> ()
    %mul3A_32 = arith.constant 640 : i32
    %mul3A_33 = arith.muli %arg1, %mul3A_32 : i32
    %add3A_34 = arith.constant 384 : i32
    %add3A_35 = arith.addi %mul3A_33, %add3A_34 : i32
    "tpu.region"() ({
      %run_scoped3A = tpu.sem_alloc : memref<!tpu.dma_semaphore, #tpu.memory_space<semaphore_mem>>
      %dma_start3A = arith.constant 0 : i32
      %dma_start3A_65 = tpu.memref_slice %arg19[%add3A_35, %dma_start3A] : memref<10240x128xf32, #tpu.memory_space<vmem_shared>> -> memref<128x128xf32, #tpu.memory_space<vmem_shared>>
      %dma_start3A_66 = arith.constant 0 : i32
      %dma_start3A_67 = tpu.memref_slice %arg19[%add3A_35, %dma_start3A_66] : memref<10240x128xf32, #tpu.memory_space<vmem_shared>> -> memref<128x128xf32, #tpu.memory_space<vmem_shared>>
      tpu.enqueue_dma source(%arg18 : memref<128x128xf32, #tpu.memory_space<vmem>>) target(%dma_start3A_67 : memref<128x128xf32, #tpu.memory_space<vmem_shared>>) target_semaphore(%run_scoped3A : memref<!tpu.dma_semaphore, #tpu.memory_space<semaphore_mem>>)
      %dma_wait3A = arith.constant 0 : i32
      %dma_wait3A_68 = tpu.memref_slice %arg19[%add3A_35, %dma_wait3A] : memref<10240x128xf32, #tpu.memory_space<vmem_shared>> -> memref<128x128xf32, #tpu.memory_space<vmem_shared>>
      %dma_wait3A_69 = arith.constant 0 : i32
      %dma_wait3A_70 = tpu.memref_slice %arg19[%add3A_35, %dma_wait3A_69] : memref<10240x128xf32, #tpu.memory_space<vmem_shared>> -> memref<128x128xf32, #tpu.memory_space<vmem_shared>>
      tpu.wait_dma2 semaphore(%run_scoped3A : memref<!tpu.dma_semaphore, #tpu.memory_space<semaphore_mem>>) src(%arg18 : memref<128x128xf32, #tpu.memory_space<vmem>>) dst(%dma_wait3A_70 : memref<128x128xf32, #tpu.memory_space<vmem_shared>>)
      tpu.yield
    }) : () -> ()
    %mul3A_36 = arith.constant 640 : i32
    %mul3A_37 = arith.muli %arg1, %mul3A_36 : i32
    %add3A_38 = arith.constant 384 : i32
    %add3A_39 = arith.addi %mul3A_37, %add3A_38 : i32
    "tpu.region"() ({
      %run_scoped3A = tpu.sem_alloc : memref<!tpu.dma_semaphore, #tpu.memory_space<semaphore_mem>>
      %dma_start3A = tpu.memref_slice %arg20[%add3A_39] : memref<10240xf32, #tpu.memory_space<vmem_shared>> -> memref<128xf32, #tpu.memory_space<vmem_shared>>
      %dma_start3A_65 = tpu.memref_slice %arg20[%add3A_39] : memref<10240xf32, #tpu.memory_space<vmem_shared>> -> memref<128xf32, #tpu.memory_space<vmem_shared>>
      tpu.enqueue_dma source(%arg17 : memref<128xf32, #tpu.memory_space<vmem>>) target(%dma_start3A_65 : memref<128xf32, #tpu.memory_space<vmem_shared>>) target_semaphore(%run_scoped3A : memref<!tpu.dma_semaphore, #tpu.memory_space<semaphore_mem>>)
      %dma_wait3A = tpu.memref_slice %arg20[%add3A_39] : memref<10240xf32, #tpu.memory_space<vmem_shared>> -> memref<128xf32, #tpu.memory_space<vmem_shared>>
      %dma_wait3A_66 = tpu.memref_slice %arg20[%add3A_39] : memref<10240xf32, #tpu.memory_space<vmem_shared>> -> memref<128xf32, #tpu.memory_space<vmem_shared>>
      tpu.wait_dma2 semaphore(%run_scoped3A : memref<!tpu.dma_semaphore, #tpu.memory_space<semaphore_mem>>) src(%arg17 : memref<128xf32, #tpu.memory_space<vmem>>) dst(%dma_wait3A_66 : memref<128xf32, #tpu.memory_space<vmem_shared>>)
      tpu.yield
    }) : () -> ()
    %mul3A_40 = arith.constant 640 : i32
    %mul3A_41 = arith.muli %arg1, %mul3A_40 : i32
    %add3A_42 = arith.constant 512 : i32
    %add3A_43 = arith.addi %mul3A_41, %add3A_42 : i32
    "tpu.region"() ({
      %run_scoped3A = tpu.sem_alloc : memref<!tpu.dma_semaphore, #tpu.memory_space<semaphore_mem>>
      %dma_start3A = arith.constant 0 : i32
      %dma_start3A_65 = tpu.memref_slice %arg19[%add3A_43, %dma_start3A] : memref<10240x128xf32, #tpu.memory_space<vmem_shared>> -> memref<128x128xf32, #tpu.memory_space<vmem_shared>>
      %dma_start3A_66 = arith.constant 0 : i32
      %dma_start3A_67 = tpu.memref_slice %arg19[%add3A_43, %dma_start3A_66] : memref<10240x128xf32, #tpu.memory_space<vmem_shared>> -> memref<128x128xf32, #tpu.memory_space<vmem_shared>>
      tpu.enqueue_dma source(%arg18 : memref<128x128xf32, #tpu.memory_space<vmem>>) target(%dma_start3A_67 : memref<128x128xf32, #tpu.memory_space<vmem_shared>>) target_semaphore(%run_scoped3A : memref<!tpu.dma_semaphore, #tpu.memory_space<semaphore_mem>>)
      %dma_wait3A = arith.constant 0 : i32
      %dma_wait3A_68 = tpu.memref_slice %arg19[%add3A_43, %dma_wait3A] : memref<10240x128xf32, #tpu.memory_space<vmem_shared>> -> memref<128x128xf32, #tpu.memory_space<vmem_shared>>
      %dma_wait3A_69 = arith.constant 0 : i32
      %dma_wait3A_70 = tpu.memref_slice %arg19[%add3A_43, %dma_wait3A_69] : memref<10240x128xf32, #tpu.memory_space<vmem_shared>> -> memref<128x128xf32, #tpu.memory_space<vmem_shared>>
      tpu.wait_dma2 semaphore(%run_scoped3A : memref<!tpu.dma_semaphore, #tpu.memory_space<semaphore_mem>>) src(%arg18 : memref<128x128xf32, #tpu.memory_space<vmem>>) dst(%dma_wait3A_70 : memref<128x128xf32, #tpu.memory_space<vmem_shared>>)
      tpu.yield
    }) : () -> ()
    %mul3A_44 = arith.constant 640 : i32
    %mul3A_45 = arith.muli %arg1, %mul3A_44 : i32
    %add3A_46 = arith.constant 512 : i32
    %add3A_47 = arith.addi %mul3A_45, %add3A_46 : i32
    "tpu.region"() ({
      %run_scoped3A = tpu.sem_alloc : memref<!tpu.dma_semaphore, #tpu.memory_space<semaphore_mem>>
      %dma_start3A = tpu.memref_slice %arg20[%add3A_47] : memref<10240xf32, #tpu.memory_space<vmem_shared>> -> memref<128xf32, #tpu.memory_space<vmem_shared>>
      %dma_start3A_65 = tpu.memref_slice %arg20[%add3A_47] : memref<10240xf32, #tpu.memory_space<vmem_shared>> -> memref<128xf32, #tpu.memory_space<vmem_shared>>
      tpu.enqueue_dma source(%arg17 : memref<128xf32, #tpu.memory_space<vmem>>) target(%dma_start3A_65 : memref<128xf32, #tpu.memory_space<vmem_shared>>) target_semaphore(%run_scoped3A : memref<!tpu.dma_semaphore, #tpu.memory_space<semaphore_mem>>)
      %dma_wait3A = tpu.memref_slice %arg20[%add3A_47] : memref<10240xf32, #tpu.memory_space<vmem_shared>> -> memref<128xf32, #tpu.memory_space<vmem_shared>>
      %dma_wait3A_66 = tpu.memref_slice %arg20[%add3A_47] : memref<10240xf32, #tpu.memory_space<vmem_shared>> -> memref<128xf32, #tpu.memory_space<vmem_shared>>
      tpu.wait_dma2 semaphore(%run_scoped3A : memref<!tpu.dma_semaphore, #tpu.memory_space<semaphore_mem>>) src(%arg17 : memref<128xf32, #tpu.memory_space<vmem>>) dst(%dma_wait3A_66 : memref<128xf32, #tpu.memory_space<vmem_shared>>)
      tpu.yield
    }) : () -> ()
    %barrier3A = arith.constant 0 : index
    tpu.barrier barrier_id(%barrier3A)
    %get3A = arith.constant 0 : index
    %get3A_48 = tpu.vector_load %arg13[%get3A] {strides = array<i32>} : memref<16xf32, #tpu.memory_space<vmem>>, vector<16xf32>,
    %mul3A_49 = arith.constant 10240 : i32
    %mul3A_50 = arith.muli %add3A, %mul3A_49 : i32
    %scan3A_51 = arith.constant 0 : i32
    %scan3A_52 = arith.constant 0 : i32
    %scan3A_53 = arith.constant 80 : i32
    %scan3A_54 = arith.addi %scan3A_52, %scan3A_53 : i32
    %scan3A_55 = arith.constant 1 : i32
    %scan3A_56 = scf.for %scan3A_65 = %scan3A_52 to %scan3A_54 step %scan3A_55 iter_args(%scan3A_66 = %scan3A_51) -> (i32)  : i32 {
      %mul3A_67 = arith.constant 128 : i32
      %mul3A_68 = arith.muli %scan3A_65, %mul3A_67 : i32
      %add3A_69 = arith.addi %mul3A_50, %mul3A_68 : i32
      "tpu.region"() ({
        %run_scoped3A = tpu.sem_alloc : memref<!tpu.dma_semaphore, #tpu.memory_space<semaphore_mem>>
        %dma_start3A_89 = tpu.memref_slice %arg2[%add3A_69] : memref<327680xi32, #tpu.memory_space<hbm>> -> memref<128xi32, #tpu.memory_space<hbm>>
        %dma_start3A_90 = tpu.memref_slice %arg2[%add3A_69] : memref<327680xi32, #tpu.memory_space<hbm>> -> memref<128xi32, #tpu.memory_space<hbm>>
        tpu.enqueue_dma source(%dma_start3A_90 : memref<128xi32, #tpu.memory_space<hbm>>) target(%arg14 : memref<128xi32, #tpu.memory_space<vmem>>) target_semaphore(%run_scoped3A : memref<!tpu.dma_semaphore, #tpu.memory_space<semaphore_mem>>)
        %dma_wait3A_91 = tpu.memref_slice %arg2[%add3A_69] : memref<327680xi32, #tpu.memory_space<hbm>> -> memref<128xi32, #tpu.memory_space<hbm>>
        %dma_wait3A_92 = tpu.memref_slice %arg2[%add3A_69] : memref<327680xi32, #tpu.memory_space<hbm>> -> memref<128xi32, #tpu.memory_space<hbm>>
        tpu.wait_dma2 semaphore(%run_scoped3A : memref<!tpu.dma_semaphore, #tpu.memory_space<semaphore_mem>>) src(%dma_wait3A_92 : memref<128xi32, #tpu.memory_space<hbm>>) dst(%arg14 : memref<128xi32, #tpu.memory_space<vmem>>)
        tpu.yield
      }) : () -> ()
      %dma_start3A = arith.constant 0 : i32
      %dma_start3A_70 = arith.constant 0 : i32
      %dma_start3A_71 = tpu.memref_slice %arg8[%dma_start3A, %dma_start3A_70] : memref<10000x128xf32, #tpu.memory_space<hbm>> -> memref<10000x128xf32, #tpu.memory_space<hbm>>
      tpu.enqueue_indirect_dma source(%dma_start3A_71 : memref<10000x128xf32, #tpu.memory_space<hbm>>) target(%arg18 : memref<128x128xf32, #tpu.memory_space<vmem>>) offsets(%arg14 : memref<128xi32, #tpu.memory_space<vmem>>) semaphore(%arg21 : memref<!tpu.dma_semaphore, #tpu.memory_space<semaphore_mem>>)
      "tpu.region"() ({
        %run_scoped3A = tpu.sem_alloc : memref<!tpu.dma_semaphore, #tpu.memory_space<semaphore_mem>>
        %dma_start3A_89 = tpu.memref_slice %arg3[%add3A_69] : memref<327680xi32, #tpu.memory_space<hbm>> -> memref<128xi32, #tpu.memory_space<hbm>>
        %dma_start3A_90 = tpu.memref_slice %arg3[%add3A_69] : memref<327680xi32, #tpu.memory_space<hbm>> -> memref<128xi32, #tpu.memory_space<hbm>>
        tpu.enqueue_dma source(%dma_start3A_90 : memref<128xi32, #tpu.memory_space<hbm>>) target(%arg15 : memref<128xi32, #tpu.memory_space<vmem>>) target_semaphore(%run_scoped3A : memref<!tpu.dma_semaphore, #tpu.memory_space<semaphore_mem>>)
        %dma_wait3A_91 = tpu.memref_slice %arg3[%add3A_69] : memref<327680xi32, #tpu.memory_space<hbm>> -> memref<128xi32, #tpu.memory_space<hbm>>
        %dma_wait3A_92 = tpu.memref_slice %arg3[%add3A_69] : memref<327680xi32, #tpu.memory_space<hbm>> -> memref<128xi32, #tpu.memory_space<hbm>>
        tpu.wait_dma2 semaphore(%run_scoped3A : memref<!tpu.dma_semaphore, #tpu.memory_space<semaphore_mem>>) src(%dma_wait3A_92 : memref<128xi32, #tpu.memory_space<hbm>>) dst(%arg15 : memref<128xi32, #tpu.memory_space<vmem>>)
        tpu.yield
      }) : () -> ()
      "tpu.region"() ({
        %run_scoped3A = tpu.sem_alloc : memref<!tpu.dma_semaphore, #tpu.memory_space<semaphore_mem>>
        %dma_start3A_89 = tpu.memref_slice %arg4[%add3A_69] : memref<327680xf32, #tpu.memory_space<hbm>> -> memref<128xf32, #tpu.memory_space<hbm>>
        %dma_start3A_90 = tpu.memref_slice %arg4[%add3A_69] : memref<327680xf32, #tpu.memory_space<hbm>> -> memref<128xf32, #tpu.memory_space<hbm>>
        tpu.enqueue_dma source(%dma_start3A_90 : memref<128xf32, #tpu.memory_space<hbm>>) target(%arg16 : memref<128xf32, #tpu.memory_space<vmem>>) target_semaphore(%run_scoped3A : memref<!tpu.dma_semaphore, #tpu.memory_space<semaphore_mem>>)
        %dma_wait3A_91 = tpu.memref_slice %arg4[%add3A_69] : memref<327680xf32, #tpu.memory_space<hbm>> -> memref<128xf32, #tpu.memory_space<hbm>>
        %dma_wait3A_92 = tpu.memref_slice %arg4[%add3A_69] : memref<327680xf32, #tpu.memory_space<hbm>> -> memref<128xf32, #tpu.memory_space<hbm>>
        tpu.wait_dma2 semaphore(%run_scoped3A : memref<!tpu.dma_semaphore, #tpu.memory_space<semaphore_mem>>) src(%dma_wait3A_92 : memref<128xf32, #tpu.memory_space<hbm>>) dst(%arg16 : memref<128xf32, #tpu.memory_space<vmem>>)
        tpu.yield
      }) : () -> ()
      %scan3A_72 = arith.constant 0 : i32
      %scan3A_73 = arith.constant 0 : i32
      %scan3A_74 = arith.constant 8 : i32
      %scan3A_75 = arith.addi %scan3A_73, %scan3A_74 : i32
      %scan3A_76 = arith.constant 1 : i32
      %scan3A_77 = scf.for %scan3A_89 = %scan3A_73 to %scan3A_75 step %scan3A_76 iter_args(%scan3A_90 = %scan3A_72) -> (i32)  : i32 {
        %mul3A_91 = arith.constant 16 : i32
        %mul3A_92 = arith.muli %scan3A_89, %mul3A_91 : i32
        %get3A_93 = arith.index_cast %mul3A_92 : i32 to index
        %get3A_94 = tpu.vector_load %arg15[%get3A_93] {strides = array<i32>} : memref<128xi32, #tpu.memory_space<vmem>>, vector<16xi32>,
        %gather3A = tpu.vector_load_idx %arg11[%get3A_94] : memref<10000xf32, #tpu.memory_space<vmem>>[vector<16xi32>], vector<16xf32>,
        %get3A_95 = arith.index_cast %mul3A_92 : i32 to index
        %get3A_96 = tpu.vector_load %arg14[%get3A_95] {strides = array<i32>} : memref<128xi32, #tpu.memory_space<vmem>>, vector<16xi32>,
        %gather3A_97 = tpu.vector_load_idx %arg12[%get3A_96] : memref<10000xf32, #tpu.memory_space<vmem>>[vector<16xi32>], vector<16xf32>,
        %add3A_98 = arith.addf %gather3A, %gather3A_97 : vector<16xf32>
        %get3A_99 = arith.index_cast %mul3A_92 : i32 to index
        %get3A_100 = tpu.vector_load %arg16[%get3A_99] {strides = array<i32>} : memref<128xf32, #tpu.memory_space<vmem>>, vector<16xf32>,
        %add3A_101 = arith.addf %add3A_98, %get3A_100 : vector<16xf32>
        %ge3A = arith.constant 0.000000e+00 : f32
        %ge3A_102 = vector.broadcast %ge3A : f32 to vector<16xf32>
        %ge3A_103 = arith.cmpf oge, %add3A_101, %ge3A_102 : vector<16xf32>
        %mul3A_104 = arith.constant 2.000000e-01 : f32
        %mul3A_105 = vector.broadcast %mul3A_104 : f32 to vector<16xf32>
        %mul3A_106 = arith.mulf %add3A_101, %mul3A_105 : vector<16xf32>
        %select_n3A = arith.select %ge3A_103, %add3A_101, %mul3A_106 : vector<16xi1>, vector<16xf32>
        %sub3A = arith.subf %select_n3A, %get3A_48 : vector<16xf32>
        %exp3A = math.exp %sub3A : vector<16xf32>
        %swap3A = arith.index_cast %mul3A_92 : i32 to index
        %swap3A_107 = tpu.vector_load %arg17[%swap3A] {strides = array<i32>} : memref<128xf32, #tpu.memory_space<vmem>>, vector<16xf32>,
        tpu.vector_store %arg17[%swap3A], %exp3A {strides = array<i32>} : memref<128xf32, #tpu.memory_space<vmem>>, vector<16xf32>,
        %scan3A_108 = arith.constant 0 : i32
        scf.yield %scan3A_108 : i32
      }
      %scan3A_78 = arith.constant 8 : i32
      %dma_wait3A = arith.constant 0 : i32
      %dma_wait3A_79 = arith.constant 0 : i32
      %dma_wait3A_80 = tpu.memref_slice %arg8[%dma_wait3A, %dma_wait3A_79] : memref<10000x128xf32, #tpu.memory_space<hbm>> -> memref<10000x128xf32, #tpu.memory_space<hbm>>
      tpu.wait_indirect_dma semaphore(%arg21 : memref<!tpu.dma_semaphore, #tpu.memory_space<semaphore_mem>>) src(%dma_wait3A_80 : memref<10000x128xf32, #tpu.memory_space<hbm>>) dst(%arg18 : memref<128x128xf32, #tpu.memory_space<vmem>>)
      %scan3A_81 = arith.constant 0 : i32
      %scan3A_82 = arith.constant 0 : i32
      %scan3A_83 = arith.constant 128 : i32
      %scan3A_84 = arith.addi %scan3A_82, %scan3A_83 : i32
      %scan3A_85 = arith.constant 1 : i32
      %scan3A_86 = scf.for %scan3A_89 = %scan3A_82 to %scan3A_84 step %scan3A_85 iter_args(%scan3A_90 = %scan3A_81) -> (i32)  : i32 {
        %broadcast_in_dim3A_91 = vector.broadcast %scan3A_89 : i32 to vector<16xi32>
        %gather3A = tpu.vector_load_idx %arg17[%broadcast_in_dim3A_91] : memref<128xf32, #tpu.memory_space<vmem>>[vector<16xi32>], vector<16xf32>,
        %get3A_92 = arith.index_cast %scan3A_89 : i32 to index
        %get3A_93 = arith.constant 0 : index
        %get3A_94 = tpu.vector_load %arg18[%get3A_92, %get3A_93] {strides = array<i32>} : memref<128x128xf32, #tpu.memory_space<vmem>>, vector<16xf32>,
        %mul3A_95 = arith.mulf %get3A_94, %gather3A : vector<16xf32>
        %swap3A = arith.index_cast %scan3A_89 : i32 to index
        %swap3A_96 = arith.constant 0 : index
        %swap3A_97 = tpu.vector_load %arg18[%swap3A, %swap3A_96] {strides = array<i32>} : memref<128x128xf32, #tpu.memory_space<vmem>>, vector<16xf32>,
        tpu.vector_store %arg18[%swap3A, %swap3A_96], %mul3A_95 {strides = array<i32>} : memref<128x128xf32, #tpu.memory_space<vmem>>, vector<16xf32>,
        %get3A_98 = arith.index_cast %scan3A_89 : i32 to index
        %get3A_99 = arith.constant 16 : index
        %get3A_100 = tpu.vector_load %arg18[%get3A_98, %get3A_99] {strides = array<i32>} : memref<128x128xf32, #tpu.memory_space<vmem>>, vector<16xf32>,
        %mul3A_101 = arith.mulf %get3A_100, %gather3A : vector<16xf32>
        %swap3A_102 = arith.index_cast %scan3A_89 : i32 to index
        %swap3A_103 = arith.constant 16 : index
        %swap3A_104 = tpu.vector_load %arg18[%swap3A_102, %swap3A_103] {strides = array<i32>} : memref<128x128xf32, #tpu.memory_space<vmem>>, vector<16xf32>,
        tpu.vector_store %arg18[%swap3A_102, %swap3A_103], %mul3A_101 {strides = array<i32>} : memref<128x128xf32, #tpu.memory_space<vmem>>, vector<16xf32>,
        %get3A_105 = arith.index_cast %scan3A_89 : i32 to index
        %get3A_106 = arith.constant 32 : index
        %get3A_107 = tpu.vector_load %arg18[%get3A_105, %get3A_106] {strides = array<i32>} : memref<128x128xf32, #tpu.memory_space<vmem>>, vector<16xf32>,
        %mul3A_108 = arith.mulf %get3A_107, %gather3A : vector<16xf32>
        %swap3A_109 = arith.index_cast %scan3A_89 : i32 to index
        %swap3A_110 = arith.constant 32 : index
        %swap3A_111 = tpu.vector_load %arg18[%swap3A_109, %swap3A_110] {strides = array<i32>} : memref<128x128xf32, #tpu.memory_space<vmem>>, vector<16xf32>,
        tpu.vector_store %arg18[%swap3A_109, %swap3A_110], %mul3A_108 {strides = array<i32>} : memref<128x128xf32, #tpu.memory_space<vmem>>, vector<16xf32>,
        %get3A_112 = arith.index_cast %scan3A_89 : i32 to index
        %get3A_113 = arith.constant 48 : index
        %get3A_114 = tpu.vector_load %arg18[%get3A_112, %get3A_113] {strides = array<i32>} : memref<128x128xf32, #tpu.memory_space<vmem>>, vector<16xf32>,
        %mul3A_115 = arith.mulf %get3A_114, %gather3A : vector<16xf32>
        %swap3A_116 = arith.index_cast %scan3A_89 : i32 to index
        %swap3A_117 = arith.constant 48 : index
        %swap3A_118 = tpu.vector_load %arg18[%swap3A_116, %swap3A_117] {strides = array<i32>} : memref<128x128xf32, #tpu.memory_space<vmem>>, vector<16xf32>,
        tpu.vector_store %arg18[%swap3A_116, %swap3A_117], %mul3A_115 {strides = array<i32>} : memref<128x128xf32, #tpu.memory_space<vmem>>, vector<16xf32>,
        %get3A_119 = arith.index_cast %scan3A_89 : i32 to index
        %get3A_120 = arith.constant 64 : index
        %get3A_121 = tpu.vector_load %arg18[%get3A_119, %get3A_120] {strides = array<i32>} : memref<128x128xf32, #tpu.memory_space<vmem>>, vector<16xf32>,
        %mul3A_122 = arith.mulf %get3A_121, %gather3A : vector<16xf32>
        %swap3A_123 = arith.index_cast %scan3A_89 : i32 to index
        %swap3A_124 = arith.constant 64 : index
        %swap3A_125 = tpu.vector_load %arg18[%swap3A_123, %swap3A_124] {strides = array<i32>} : memref<128x128xf32, #tpu.memory_space<vmem>>, vector<16xf32>,
        tpu.vector_store %arg18[%swap3A_123, %swap3A_124], %mul3A_122 {strides = array<i32>} : memref<128x128xf32, #tpu.memory_space<vmem>>, vector<16xf32>,
        %get3A_126 = arith.index_cast %scan3A_89 : i32 to index
        %get3A_127 = arith.constant 80 : index
        %get3A_128 = tpu.vector_load %arg18[%get3A_126, %get3A_127] {strides = array<i32>} : memref<128x128xf32, #tpu.memory_space<vmem>>, vector<16xf32>,
        %mul3A_129 = arith.mulf %get3A_128, %gather3A : vector<16xf32>
        %swap3A_130 = arith.index_cast %scan3A_89 : i32 to index
        %swap3A_131 = arith.constant 80 : index
        %swap3A_132 = tpu.vector_load %arg18[%swap3A_130, %swap3A_131] {strides = array<i32>} : memref<128x128xf32, #tpu.memory_space<vmem>>, vector<16xf32>,
        tpu.vector_store %arg18[%swap3A_130, %swap3A_131], %mul3A_129 {strides = array<i32>} : memref<128x128xf32, #tpu.memory_space<vmem>>, vector<16xf32>,
        %get3A_133 = arith.index_cast %scan3A_89 : i32 to index
        %get3A_134 = arith.constant 96 : index
        %get3A_135 = tpu.vector_load %arg18[%get3A_133, %get3A_134] {strides = array<i32>} : memref<128x128xf32, #tpu.memory_space<vmem>>, vector<16xf32>,
        %mul3A_136 = arith.mulf %get3A_135, %gather3A : vector<16xf32>
        %swap3A_137 = arith.index_cast %scan3A_89 : i32 to index
        %swap3A_138 = arith.constant 96 : index
        %swap3A_139 = tpu.vector_load %arg18[%swap3A_137, %swap3A_138] {strides = array<i32>} : memref<128x128xf32, #tpu.memory_space<vmem>>, vector<16xf32>,
        tpu.vector_store %arg18[%swap3A_137, %swap3A_138], %mul3A_136 {strides = array<i32>} : memref<128x128xf32, #tpu.memory_space<vmem>>, vector<16xf32>,
        %get3A_140 = arith.index_cast %scan3A_89 : i32 to index
        %get3A_141 = arith.constant 112 : index
        %get3A_142 = tpu.vector_load %arg18[%get3A_140, %get3A_141] {strides = array<i32>} : memref<128x128xf32, #tpu.memory_space<vmem>>, vector<16xf32>,
        %mul3A_143 = arith.mulf %get3A_142, %gather3A : vector<16xf32>
        %swap3A_144 = arith.index_cast %scan3A_89 : i32 to index
        %swap3A_145 = arith.constant 112 : index
        %swap3A_146 = tpu.vector_load %arg18[%swap3A_144, %swap3A_145] {strides = array<i32>} : memref<128x128xf32, #tpu.memory_space<vmem>>, vector<16xf32>,
        tpu.vector_store %arg18[%swap3A_144, %swap3A_145], %mul3A_143 {strides = array<i32>} : memref<128x128xf32, #tpu.memory_space<vmem>>, vector<16xf32>,
        %scan3A_147 = arith.constant 0 : i32
        scf.yield %scan3A_147 : i32
      }
      %scan3A_87 = arith.constant 128 : i32
      "tpu.region"() ({
        %run_scoped3A = tpu.sem_alloc : memref<!tpu.dma_semaphore, #tpu.memory_space<semaphore_mem>>
        %dma_start3A_89 = arith.constant 0 : i32
        %dma_start3A_90 = arith.constant 0 : i32
        %dma_start3A_91 = tpu.memref_slice %arg19[%dma_start3A_89, %dma_start3A_90] : memref<10240x128xf32, #tpu.memory_space<vmem_shared>> -> memref<10240x128xf32, #tpu.memory_space<vmem_shared>>
        tpu.enqueue_indirect_dma source(%arg18 : memref<128x128xf32, #tpu.memory_space<vmem>>) target(%dma_start3A_91 : memref<10240x128xf32, #tpu.memory_space<vmem_shared>>) offsets(%arg15 : memref<128xi32, #tpu.memory_space<vmem>>) semaphore(%run_scoped3A : memref<!tpu.dma_semaphore, #tpu.memory_space<semaphore_mem>>) {add = true}
        %dma_wait3A_92 = arith.constant 0 : i32
        %dma_wait3A_93 = arith.constant 0 : i32
        %dma_wait3A_94 = tpu.memref_slice %arg19[%dma_wait3A_92, %dma_wait3A_93] : memref<10240x128xf32, #tpu.memory_space<vmem_shared>> -> memref<10240x128xf32, #tpu.memory_space<vmem_shared>>
        tpu.wait_indirect_dma semaphore(%run_scoped3A : memref<!tpu.dma_semaphore, #tpu.memory_space<semaphore_mem>>) src(%arg18 : memref<128x128xf32, #tpu.memory_space<vmem>>) dst(%dma_wait3A_94 : memref<10240x128xf32, #tpu.memory_space<vmem_shared>>)
        tpu.yield
      }) : () -> ()
      "tpu.region"() ({
        %run_scoped3A = tpu.sem_alloc : memref<!tpu.dma_semaphore, #tpu.memory_space<semaphore_mem>>
        %dma_start3A_89 = arith.constant 0 : i32
        %dma_start3A_90 = tpu.memref_slice %arg20[%dma_start3A_89] : memref<10240xf32, #tpu.memory_space<vmem_shared>> -> memref<10240xf32, #tpu.memory_space<vmem_shared>>
        tpu.enqueue_indirect_dma source(%arg17 : memref<128xf32, #tpu.memory_space<vmem>>) target(%dma_start3A_90 : memref<10240xf32, #tpu.memory_space<vmem_shared>>) offsets(%arg15 : memref<128xi32, #tpu.memory_space<vmem>>) semaphore(%run_scoped3A : memref<!tpu.dma_semaphore, #tpu.memory_space<semaphore_mem>>) {add = true}
        %dma_wait3A_91 = arith.constant 0 : i32
        %dma_wait3A_92 = tpu.memref_slice %arg20[%dma_wait3A_91] : memref<10240xf32, #tpu.memory_space<vmem_shared>> -> memref<10240xf32, #tpu.memory_space<vmem_shared>>
        tpu.wait_indirect_dma semaphore(%run_scoped3A : memref<!tpu.dma_semaphore, #tpu.memory_space<semaphore_mem>>) src(%arg17 : memref<128xf32, #tpu.memory_space<vmem>>) dst(%dma_wait3A_92 : memref<10240xf32, #tpu.memory_space<vmem_shared>>)
        tpu.yield
      }) : () -> ()
      %scan3A_88 = arith.constant 0 : i32
      scf.yield %scan3A_88 : i32
    }
    %scan3A_57 = arith.constant 80 : i32
    %barrier3A_58 = arith.constant 0 : index
    tpu.barrier barrier_id(%barrier3A_58)
    %mul3A_59 = arith.constant 640 : i32
    %mul3A_60 = arith.muli %arg1, %mul3A_59 : i32
    %mul3A_61 = arith.constant 640 : i32
    %mul3A_62 = arith.muli %arg1, %mul3A_61 : i32
    "tpu.region"() ({
      %run_scoped3A = tpu.sem_alloc : memref<!tpu.dma_semaphore, #tpu.memory_space<semaphore_mem>>
      %dma_start3A = arith.constant 0 : i32
      %dma_start3A_65 = tpu.memref_slice %arg9[%arg0, %mul3A_62, %dma_start3A] : memref<2x10240x128xf32, #tpu.memory_space<hbm>> -> memref<1x640x128xf32, #tpu.memory_space<hbm>>
      %dma_start3A_66 = tpu.memref_squeeze %dma_start3A_65 : memref<1x640x128xf32, #tpu.memory_space<hbm>> -> memref<640x128xf32, #tpu.memory_space<hbm>>
      %dma_start3A_67 = arith.constant 0 : i32
      %dma_start3A_68 = tpu.memref_slice %arg19[%mul3A_60, %dma_start3A_67] : memref<10240x128xf32, #tpu.memory_space<vmem_shared>> -> memref<640x128xf32, #tpu.memory_space<vmem_shared>>
      tpu.enqueue_dma source(%dma_start3A_68 : memref<640x128xf32, #tpu.memory_space<vmem_shared>>) target(%dma_start3A_66 : memref<640x128xf32, #tpu.memory_space<hbm>>) target_semaphore(%run_scoped3A : memref<!tpu.dma_semaphore, #tpu.memory_space<semaphore_mem>>)
      %dma_wait3A = arith.constant 0 : i32
      %dma_wait3A_69 = tpu.memref_slice %arg9[%arg0, %mul3A_62, %dma_wait3A] : memref<2x10240x128xf32, #tpu.memory_space<hbm>> -> memref<1x640x128xf32, #tpu.memory_space<hbm>>
      %dma_wait3A_70 = tpu.memref_squeeze %dma_wait3A_69 : memref<1x640x128xf32, #tpu.memory_space<hbm>> -> memref<640x128xf32, #tpu.memory_space<hbm>>
      %dma_wait3A_71 = arith.constant 0 : i32
      %dma_wait3A_72 = tpu.memref_slice %arg19[%mul3A_60, %dma_wait3A_71] : memref<10240x128xf32, #tpu.memory_space<vmem_shared>> -> memref<640x128xf32, #tpu.memory_space<vmem_shared>>
      tpu.wait_dma2 semaphore(%run_scoped3A : memref<!tpu.dma_semaphore, #tpu.memory_space<semaphore_mem>>) src(%dma_wait3A_72 : memref<640x128xf32, #tpu.memory_space<vmem_shared>>) dst(%dma_wait3A_70 : memref<640x128xf32, #tpu.memory_space<hbm>>)
      tpu.yield
    }) : () -> ()
    %eq3A = arith.constant 0 : i32
    %eq3A_63 = arith.cmpi eq, %arg1, %eq3A : i32
    %convert_element_type3A = arith.extui %eq3A_63 : i1 to i32
    %cond3A = arith.constant 0 : i32
    %cond3A_64 = arith.cmpi ne, %convert_element_type3A, %cond3A : i32
    scf.if %cond3A_64 {
      %run_scoped3A = arith.constant 0 : i32
      "tpu.region"() ({
        %run_scoped3A_65 = tpu.sem_alloc : memref<!tpu.dma_semaphore, #tpu.memory_space<semaphore_mem>>
        %dma_start3A = arith.constant 0 : i32
        %dma_start3A_66 = tpu.memref_slice %arg10[%arg0, %run_scoped3A, %dma_start3A] : memref<2x1x10240xf32, #tpu.memory_space<hbm>> -> memref<1x1x10240xf32, #tpu.memory_space<hbm>>
        %dma_start3A_67 = tpu.memref_squeeze %dma_start3A_66 : memref<1x1x10240xf32, #tpu.memory_space<hbm>> -> memref<10240xf32, #tpu.memory_space<hbm>>
        tpu.enqueue_dma source(%arg20 : memref<10240xf32, #tpu.memory_space<vmem_shared>>) target(%dma_start3A_67 : memref<10240xf32, #tpu.memory_space<hbm>>) target_semaphore(%run_scoped3A_65 : memref<!tpu.dma_semaphore, #tpu.memory_space<semaphore_mem>>)
        %dma_wait3A = arith.constant 0 : i32
        %dma_wait3A_68 = tpu.memref_slice %arg10[%arg0, %run_scoped3A, %dma_wait3A] : memref<2x1x10240xf32, #tpu.memory_space<hbm>> -> memref<1x1x10240xf32, #tpu.memory_space<hbm>>
        %dma_wait3A_69 = tpu.memref_squeeze %dma_wait3A_68 : memref<1x1x10240xf32, #tpu.memory_space<hbm>> -> memref<10240xf32, #tpu.memory_space<hbm>>
        tpu.wait_dma2 semaphore(%run_scoped3A_65 : memref<!tpu.dma_semaphore, #tpu.memory_space<semaphore_mem>>) src(%arg20 : memref<10240xf32, #tpu.memory_space<vmem_shared>>) dst(%dma_wait3A_69 : memref<10240xf32, #tpu.memory_space<hbm>>)
        tpu.yield
      }) : () -> ()
    } else {
    }
    return
  }
}

module attributes {stable_mosaic.version = 14 : i64} {
  func.func @_a2_body(%arg0: i32, %arg1: memref<6400x16xf32, #tpu.memory_space<vmem>>, %arg2: memref<16x4xf32, #tpu.memory_space<vmem>>, %arg3: memref<1x4xf32, #tpu.memory_space<vmem>>, %arg4: memref<6400x1xf32, #tpu.memory_space<vmem>>, %arg5: memref<1x1x8xf32, #tpu.memory_space<vmem>>) attributes {dimension_semantics = [#tpu.dimension_semantics<arbitrary>], iteration_bounds = array<i64: 50>, scalar_prefetch = 0 : i64, scratch_operands = 0 : i64, tpu.core_type = #tpu.core_type<tc>, window_params = [{transform_indices = @transform_0, window_bounds = array<i64: 6400, 16>}, {pipeline_mode = #tpu.pipeline_mode<synchronous>, transform_indices = @transform_1, window_bounds = array<i64: 16, 4>}, {pipeline_mode = #tpu.pipeline_mode<synchronous>, transform_indices = @transform_2, window_bounds = array<i64: 1, 4>}, {transform_indices = @transform_3, window_bounds = array<i64: 6400, 1>}, {transform_indices = @transform_4, window_bounds = array<i64: 1, 1, 8>}]} {
    %get3A = arith.constant 0 : index
    %get3A_0 = arith.constant 0 : index
    %get3A_1 = vector.load %arg2[%get3A, %get3A_0] : memref<16x4xf32, #tpu.memory_space<vmem>>, vector<16x4xf32>
    %get3A_2 = arith.constant 0 : index
    %get3A_3 = arith.constant 0 : index
    %get3A_4 = vector.load %arg3[%get3A_2, %get3A_3] : memref<1x4xf32, #tpu.memory_space<vmem>>, vector<1x4xf32>
    %mul3A = vector.broadcast %get3A_4 : vector<1x4xf32> to vector<16x4xf32>
    %mul3A_5 = arith.mulf %get3A_1, %mul3A : vector<16x4xf32>
    %reduce_sum3A = arith.constant dense<0.000000e+00> : vector<16xf32>
    %reduce_sum3A_6 = vector.multi_reduction <add>, %mul3A_5, %reduce_sum3A [1] : vector<16x4xf32> to vector<16xf32>
    %get3A_7 = arith.constant 0 : index
    %get3A_8 = arith.constant 0 : index
    %get3A_9 = vector.load %arg1[%get3A_7, %get3A_8] : memref<6400x16xf32, #tpu.memory_space<vmem>>, vector<6400x16xf32>
    %broadcast_in_dim3A = vector.shape_cast %reduce_sum3A_6 : vector<16xf32> to vector<1x16xf32>
    %mul3A_10 = vector.broadcast %broadcast_in_dim3A : vector<1x16xf32> to vector<6400x16xf32>
    %mul3A_11 = arith.mulf %get3A_9, %mul3A_10 : vector<6400x16xf32>
    %reduce_sum3A_12 = arith.constant dense<0.000000e+00> : vector<6400xf32>
    %reduce_sum3A_13 = vector.multi_reduction <add>, %mul3A_11, %reduce_sum3A_12 [1] : vector<6400x16xf32> to vector<6400xf32>
    %broadcast_in_dim3A_14 = vector.shape_cast %reduce_sum3A_13 : vector<6400xf32> to vector<6400x1xf32>
    %swap3A = arith.constant 0 : index
    %swap3A_15 = arith.constant 0 : index
    %swap3A_16 = vector.load %arg4[%swap3A, %swap3A_15] : memref<6400x1xf32, #tpu.memory_space<vmem>>, vector<6400x1xf32>
    tpu.vector_store %arg4[%swap3A, %swap3A_15], %broadcast_in_dim3A_14 {strides = array<i32>} : memref<6400x1xf32, #tpu.memory_space<vmem>>, vector<6400x1xf32>,
    %reduce_max3A = vector.shape_cast %broadcast_in_dim3A_14 : vector<6400x1xf32> to vector<1x6400x1xf32>
    %reduce_max3A_17 = arith.constant dense<0xFF800000> : vector<1xf32>
    %reduce_max3A_18 = vector.multi_reduction <maximumf>, %reduce_max3A, %reduce_max3A_17 [1, 2] : vector<1x6400x1xf32> to vector<1xf32>
    %reduce_max3A_19 = vector.shape_cast %reduce_max3A_18 : vector<1xf32> to vector<1x1x1xf32>
    %reduce_max3A_20 = vector.extract %reduce_max3A_19[0, 0, 0] : f32 from vector<1x1x1xf32>
    %broadcast_in_dim3A_21 = vector.broadcast %reduce_max3A_20 : f32 to vector<1x1x8xf32>
    %swap3A_22 = arith.constant 0 : index
    %swap3A_23 = arith.constant 0 : index
    %swap3A_24 = arith.constant 0 : index
    %swap3A_25 = vector.load %arg5[%swap3A_22, %swap3A_23, %swap3A_24] : memref<1x1x8xf32, #tpu.memory_space<vmem>>, vector<1x1x8xf32>
    tpu.vector_store %arg5[%swap3A_22, %swap3A_23, %swap3A_24], %broadcast_in_dim3A_21 {strides = array<i32>} : memref<1x1x8xf32, #tpu.memory_space<vmem>>, vector<1x1x8xf32>,
    return
  }
  func.func @transform_0(%arg0: i32) -> (i32, i32) {
    %c0_i32 = arith.constant 0 : i32
    %c0_i32_0 = arith.constant 0 : i32
    return %arg0, %c0_i32 : i32, i32
  }
  func.func @transform_1(%arg0: i32) -> (i32, i32) {
    %c0_i32 = arith.constant 0 : i32
    %c0_i32_0 = arith.constant 0 : i32
    %c0_i32_1 = arith.constant 0 : i32
    return %c0_i32, %c0_i32_0 : i32, i32
  }
  func.func @transform_2(%arg0: i32) -> (i32, i32) {
    %c0_i32 = arith.constant 0 : i32
    %c0_i32_0 = arith.constant 0 : i32
    %c0_i32_1 = arith.constant 0 : i32
    return %c0_i32, %c0_i32_0 : i32, i32
  }
  func.func @transform_3(%arg0: i32) -> (i32, i32) {
    %c0_i32 = arith.constant 0 : i32
    %c0_i32_0 = arith.constant 0 : i32
    return %arg0, %c0_i32 : i32, i32
  }
  func.func @transform_4(%arg0: i32) -> (i32, i32, i32) {
    %c0_i32 = arith.constant 0 : i32
    %c0_i32_0 = arith.constant 0 : i32
    %c0_i32_1 = arith.constant 0 : i32
    return %arg0, %c0_i32, %c0_i32_0 : i32, i32, i32
  }
}

module attributes {stable_mosaic.version = 14 : i64} {
  func.func @_a1_body(%arg0: i32, %arg1: memref<400x128xf32, #tpu.memory_space<vmem>>, %arg2: memref<128x128xf32, #tpu.memory_space<vmem>>, %arg3: memref<1x128xf32, #tpu.memory_space<vmem>>, %arg4: memref<1x128xf32, #tpu.memory_space<vmem>>, %arg5: memref<400x128xf32, #tpu.memory_space<vmem>>, %arg6: memref<400x1xf32, #tpu.memory_space<vmem>>, %arg7: memref<400x1xf32, #tpu.memory_space<vmem>>, %arg8: memref<1x1x8xf32, #tpu.memory_space<vmem>>, %arg9: memref<1x1x8xf32, #tpu.memory_space<vmem>>) attributes {dimension_semantics = [#tpu.dimension_semantics<arbitrary>], iteration_bounds = array<i64: 25>, scalar_prefetch = 0 : i64, scratch_operands = 0 : i64, tpu.core_type = #tpu.core_type<tc>, window_params = [{transform_indices = @transform_0, window_bounds = array<i64: 400, 128>}, {pipeline_mode = #tpu.pipeline_mode<synchronous>, transform_indices = @transform_1, window_bounds = array<i64: 128, 128>}, {pipeline_mode = #tpu.pipeline_mode<synchronous>, transform_indices = @transform_2, window_bounds = array<i64: 1, 128>}, {pipeline_mode = #tpu.pipeline_mode<synchronous>, transform_indices = @transform_3, window_bounds = array<i64: 1, 128>}, {transform_indices = @transform_4, window_bounds = array<i64: 400, 128>}, {transform_indices = @transform_5, window_bounds = array<i64: 400, 1>}, {transform_indices = @transform_6, window_bounds = array<i64: 400, 1>}, {transform_indices = @transform_7, window_bounds = array<i64: 1, 1, 8>}, {transform_indices = @transform_8, window_bounds = array<i64: 1, 1, 8>}]} {
    %get3A = arith.constant 0 : index
    %get3A_0 = arith.constant 0 : index
    %get3A_1 = vector.load %arg1[%get3A, %get3A_0] : memref<400x128xf32, #tpu.memory_space<vmem>>, vector<400x128xf32>
    %get3A_2 = arith.constant 0 : index
    %get3A_3 = arith.constant 0 : index
    %get3A_4 = vector.load %arg2[%get3A_2, %get3A_3] : memref<128x128xf32, #tpu.memory_space<vmem>>, vector<128x128xf32>
    %dot_general3A = arith.constant dense<0.000000e+00> : vector<400x128xf32>
    %dot_general3A_5 = tpu.matmul %get3A_1, %get3A_4, %dot_general3A {dimension_numbers = #tpu.dot_dimension_numbers<[1], [0], [0], [1], [0, 0, 1, 1], [], []>, transpose_lhs_hint = false} : vector<400x128xf32>, vector<128x128xf32>, vector<400x128xf32> -> vector<400x128xf32>
    %swap3A = arith.constant 0 : index
    %swap3A_6 = arith.constant 0 : index
    %swap3A_7 = vector.load %arg5[%swap3A, %swap3A_6] : memref<400x128xf32, #tpu.memory_space<vmem>>, vector<400x128xf32>
    tpu.vector_store %arg5[%swap3A, %swap3A_6], %dot_general3A_5 {strides = array<i32>} : memref<400x128xf32, #tpu.memory_space<vmem>>, vector<400x128xf32>,
    %get3A_8 = arith.constant 0 : index
    %get3A_9 = arith.constant 0 : index
    %get3A_10 = vector.load %arg3[%get3A_8, %get3A_9] : memref<1x128xf32, #tpu.memory_space<vmem>>, vector<1x128xf32>
    %mul3A = vector.broadcast %get3A_10 : vector<1x128xf32> to vector<400x128xf32>
    %mul3A_11 = arith.mulf %dot_general3A_5, %mul3A : vector<400x128xf32>
    %reduce_sum3A = arith.constant dense<0.000000e+00> : vector<400xf32>
    %reduce_sum3A_12 = vector.multi_reduction <add>, %mul3A_11, %reduce_sum3A [1] : vector<400x128xf32> to vector<400xf32>
    %broadcast_in_dim3A = vector.shape_cast %reduce_sum3A_12 : vector<400xf32> to vector<400x1xf32>
    %get3A_13 = arith.constant 0 : index
    %get3A_14 = arith.constant 0 : index
    %get3A_15 = vector.load %arg4[%get3A_13, %get3A_14] : memref<1x128xf32, #tpu.memory_space<vmem>>, vector<1x128xf32>
    %mul3A_16 = vector.broadcast %get3A_15 : vector<1x128xf32> to vector<400x128xf32>
    %mul3A_17 = arith.mulf %dot_general3A_5, %mul3A_16 : vector<400x128xf32>
    %reduce_sum3A_18 = arith.constant dense<0.000000e+00> : vector<400xf32>
    %reduce_sum3A_19 = vector.multi_reduction <add>, %mul3A_17, %reduce_sum3A_18 [1] : vector<400x128xf32> to vector<400xf32>
    %broadcast_in_dim3A_20 = vector.shape_cast %reduce_sum3A_19 : vector<400xf32> to vector<400x1xf32>
    %swap3A_21 = arith.constant 0 : index
    %swap3A_22 = arith.constant 0 : index
    %swap3A_23 = vector.load %arg6[%swap3A_21, %swap3A_22] : memref<400x1xf32, #tpu.memory_space<vmem>>, vector<400x1xf32>
    tpu.vector_store %arg6[%swap3A_21, %swap3A_22], %broadcast_in_dim3A {strides = array<i32>} : memref<400x1xf32, #tpu.memory_space<vmem>>, vector<400x1xf32>,
    %swap3A_24 = arith.constant 0 : index
    %swap3A_25 = arith.constant 0 : index
    %swap3A_26 = vector.load %arg7[%swap3A_24, %swap3A_25] : memref<400x1xf32, #tpu.memory_space<vmem>>, vector<400x1xf32>
    tpu.vector_store %arg7[%swap3A_24, %swap3A_25], %broadcast_in_dim3A_20 {strides = array<i32>} : memref<400x1xf32, #tpu.memory_space<vmem>>, vector<400x1xf32>,
    %reduce_max3A = vector.shape_cast %broadcast_in_dim3A : vector<400x1xf32> to vector<1x400x1xf32>
    %reduce_max3A_27 = arith.constant dense<0xFF800000> : vector<1xf32>
    %reduce_max3A_28 = vector.multi_reduction <maximumf>, %reduce_max3A, %reduce_max3A_27 [1, 2] : vector<1x400x1xf32> to vector<1xf32>
    %reduce_max3A_29 = vector.shape_cast %reduce_max3A_28 : vector<1xf32> to vector<1x1x1xf32>
    %reduce_max3A_30 = vector.extract %reduce_max3A_29[0, 0, 0] : f32 from vector<1x1x1xf32>
    %broadcast_in_dim3A_31 = vector.broadcast %reduce_max3A_30 : f32 to vector<1x1x8xf32>
    %swap3A_32 = arith.constant 0 : index
    %swap3A_33 = arith.constant 0 : index
    %swap3A_34 = arith.constant 0 : index
    %swap3A_35 = vector.load %arg8[%swap3A_32, %swap3A_33, %swap3A_34] : memref<1x1x8xf32, #tpu.memory_space<vmem>>, vector<1x1x8xf32>
    tpu.vector_store %arg8[%swap3A_32, %swap3A_33, %swap3A_34], %broadcast_in_dim3A_31 {strides = array<i32>} : memref<1x1x8xf32, #tpu.memory_space<vmem>>, vector<1x1x8xf32>,
    %reduce_max3A_36 = vector.shape_cast %broadcast_in_dim3A_20 : vector<400x1xf32> to vector<1x400x1xf32>
    %reduce_max3A_37 = arith.constant dense<0xFF800000> : vector<1xf32>
    %reduce_max3A_38 = vector.multi_reduction <maximumf>, %reduce_max3A_36, %reduce_max3A_37 [1, 2] : vector<1x400x1xf32> to vector<1xf32>
    %reduce_max3A_39 = vector.shape_cast %reduce_max3A_38 : vector<1xf32> to vector<1x1x1xf32>
    %reduce_max3A_40 = vector.extract %reduce_max3A_39[0, 0, 0] : f32 from vector<1x1x1xf32>
    %broadcast_in_dim3A_41 = vector.broadcast %reduce_max3A_40 : f32 to vector<1x1x8xf32>
    %swap3A_42 = arith.constant 0 : index
    %swap3A_43 = arith.constant 0 : index
    %swap3A_44 = arith.constant 0 : index
    %swap3A_45 = vector.load %arg9[%swap3A_42, %swap3A_43, %swap3A_44] : memref<1x1x8xf32, #tpu.memory_space<vmem>>, vector<1x1x8xf32>
    tpu.vector_store %arg9[%swap3A_42, %swap3A_43, %swap3A_44], %broadcast_in_dim3A_41 {strides = array<i32>} : memref<1x1x8xf32, #tpu.memory_space<vmem>>, vector<1x1x8xf32>,
    return
  }
  func.func @transform_0(%arg0: i32) -> (i32, i32) {
    %c0_i32 = arith.constant 0 : i32
    %c0_i32_0 = arith.constant 0 : i32
    return %arg0, %c0_i32 : i32, i32
  }
  func.func @transform_1(%arg0: i32) -> (i32, i32) {
    %c0_i32 = arith.constant 0 : i32
    %c0_i32_0 = arith.constant 0 : i32
    %c0_i32_1 = arith.constant 0 : i32
    return %c0_i32, %c0_i32_0 : i32, i32
  }
  func.func @transform_2(%arg0: i32) -> (i32, i32) {
    %c0_i32 = arith.constant 0 : i32
    %c0_i32_0 = arith.constant 0 : i32
    %c0_i32_1 = arith.constant 0 : i32
    return %c0_i32, %c0_i32_0 : i32, i32
  }
  func.func @transform_3(%arg0: i32) -> (i32, i32) {
    %c0_i32 = arith.constant 0 : i32
    %c0_i32_0 = arith.constant 0 : i32
    %c0_i32_1 = arith.constant 0 : i32
    return %c0_i32, %c0_i32_0 : i32, i32
  }
  func.func @transform_4(%arg0: i32) -> (i32, i32) {
    %c0_i32 = arith.constant 0 : i32
    %c0_i32_0 = arith.constant 0 : i32
    return %arg0, %c0_i32 : i32, i32
  }
  func.func @transform_5(%arg0: i32) -> (i32, i32) {
    %c0_i32 = arith.constant 0 : i32
    %c0_i32_0 = arith.constant 0 : i32
    return %arg0, %c0_i32 : i32, i32
  }
  func.func @transform_6(%arg0: i32) -> (i32, i32) {
    %c0_i32 = arith.constant 0 : i32
    %c0_i32_0 = arith.constant 0 : i32
    return %arg0, %c0_i32 : i32, i32
  }
  func.func @transform_7(%arg0: i32) -> (i32, i32, i32) {
    %c0_i32 = arith.constant 0 : i32
    %c0_i32_0 = arith.constant 0 : i32
    %c0_i32_1 = arith.constant 0 : i32
    return %arg0, %c0_i32, %c0_i32_0 : i32, i32, i32
  }
  func.func @transform_8(%arg0: i32) -> (i32, i32, i32) {
    %c0_i32 = arith.constant 0 : i32
    %c0_i32_0 = arith.constant 0 : i32
    %c0_i32_1 = arith.constant 0 : i32
    return %arg0, %c0_i32, %c0_i32_0 : i32, i32, i32
  }
}

module attributes {stable_mosaic.version = 14 : i64} {
  func.func @_c_body(%arg0: i32, %arg1: memref<2x400x128xf32, #tpu.memory_space<vmem>>, %arg2: memref<2x400x1xf32, #tpu.memory_space<vmem>>, %arg3: memref<1x128xf32, #tpu.memory_space<vmem>>, %arg4: memref<400x128xf32, #tpu.memory_space<vmem>>) attributes {dimension_semantics = [#tpu.dimension_semantics<arbitrary>], iteration_bounds = array<i64: 25>, scalar_prefetch = 0 : i64, scratch_operands = 0 : i64, tpu.core_type = #tpu.core_type<tc>, window_params = [{transform_indices = @transform_0, window_bounds = array<i64: 2, 400, 128>}, {transform_indices = @transform_1, window_bounds = array<i64: 2, 400, 1>}, {pipeline_mode = #tpu.pipeline_mode<synchronous>, transform_indices = @transform_2, window_bounds = array<i64: 1, 128>}, {transform_indices = @transform_3, window_bounds = array<i64: 400, 128>}]} {
    %get3A = arith.constant 0 : index
    %get3A_0 = arith.constant 0 : index
    %get3A_1 = arith.constant 0 : index
    %get3A_2 = vector.load %arg1[%get3A, %get3A_0, %get3A_1] : memref<2x400x128xf32, #tpu.memory_space<vmem>>, vector<1x400x128xf32>
    %get3A_3 = vector.shape_cast %get3A_2 : vector<1x400x128xf32> to vector<400x128xf32>
    %get3A_4 = arith.constant 1 : index
    %get3A_5 = arith.constant 0 : index
    %get3A_6 = arith.constant 0 : index
    %get3A_7 = vector.load %arg1[%get3A_4, %get3A_5, %get3A_6] : memref<2x400x128xf32, #tpu.memory_space<vmem>>, vector<1x400x128xf32>
    %get3A_8 = vector.shape_cast %get3A_7 : vector<1x400x128xf32> to vector<400x128xf32>
    %add3A = arith.addf %get3A_3, %get3A_8 : vector<400x128xf32>
    %get3A_9 = arith.constant 0 : index
    %get3A_10 = arith.constant 0 : index
    %get3A_11 = arith.constant 0 : index
    %get3A_12 = vector.load %arg2[%get3A_9, %get3A_10, %get3A_11] : memref<2x400x1xf32, #tpu.memory_space<vmem>>, vector<1x400x1xf32>
    %get3A_13 = vector.shape_cast %get3A_12 : vector<1x400x1xf32> to vector<400x1xf32>
    %get3A_14 = arith.constant 1 : index
    %get3A_15 = arith.constant 0 : index
    %get3A_16 = arith.constant 0 : index
    %get3A_17 = vector.load %arg2[%get3A_14, %get3A_15, %get3A_16] : memref<2x400x1xf32, #tpu.memory_space<vmem>>, vector<1x400x1xf32>
    %get3A_18 = vector.shape_cast %get3A_17 : vector<1x400x1xf32> to vector<400x1xf32>
    %add3A_19 = arith.addf %get3A_13, %get3A_18 : vector<400x1xf32>
    %add3A_20 = arith.constant 1.000000e-16 : f32
    %add3A_21 = vector.broadcast %add3A_20 : f32 to vector<400x1xf32>
    %add3A_22 = arith.addf %add3A_19, %add3A_21 : vector<400x1xf32>
    %div3A = vector.broadcast %add3A_22 : vector<400x1xf32> to vector<400x128xf32>
    %div3A_23 = arith.divf %add3A, %div3A : vector<400x128xf32>
    %get3A_24 = arith.constant 0 : index
    %get3A_25 = arith.constant 0 : index
    %get3A_26 = vector.load %arg3[%get3A_24, %get3A_25] : memref<1x128xf32, #tpu.memory_space<vmem>>, vector<1x128xf32>
    %add3A_27 = vector.broadcast %get3A_26 : vector<1x128xf32> to vector<400x128xf32>
    %add3A_28 = arith.addf %div3A_23, %add3A_27 : vector<400x128xf32>
    %swap3A = arith.constant 0 : index
    %swap3A_29 = arith.constant 0 : index
    %swap3A_30 = vector.load %arg4[%swap3A, %swap3A_29] : memref<400x128xf32, #tpu.memory_space<vmem>>, vector<400x128xf32>
    tpu.vector_store %arg4[%swap3A, %swap3A_29], %add3A_28 {strides = array<i32>} : memref<400x128xf32, #tpu.memory_space<vmem>>, vector<400x128xf32>,
    return
  }
  func.func @transform_0(%arg0: i32) -> (i32, i32, i32) {
    %c0_i32 = arith.constant 0 : i32
    %c0_i32_0 = arith.constant 0 : i32
    %c0_i32_1 = arith.constant 0 : i32
    return %c0_i32, %arg0, %c0_i32_0 : i32, i32, i32
  }
  func.func @transform_1(%arg0: i32) -> (i32, i32, i32) {
    %c0_i32 = arith.constant 0 : i32
    %c0_i32_0 = arith.constant 0 : i32
    %c0_i32_1 = arith.constant 0 : i32
    return %c0_i32, %arg0, %c0_i32_0 : i32, i32, i32
  }
  func.func @transform_2(%arg0: i32) -> (i32, i32) {
    %c0_i32 = arith.constant 0 : i32
    %c0_i32_0 = arith.constant 0 : i32
    %c0_i32_1 = arith.constant 0 : i32
    return %c0_i32, %c0_i32_0 : i32, i32
  }
  func.func @transform_3(%arg0: i32) -> (i32, i32) {
    %c0_i32 = arith.constant 0 : i32
    %c0_i32_0 = arith.constant 0 : i32
    return %arg0, %c0_i32 : i32, i32
  }
}

</mosaic_0001>

<sc_bundles>
// kernel: kernel.6.cloned.1.call-start
scs
__scs_entry_jumppad:
0x0: {  	(pc) =	sbr.rel $0x88, $3  }
0x1: {  	(tag) =	ssettag $0x0;
	lr =	simm.s32 $0x1  }
0x2: {  	[smem:$0x3F9A] =	sst lr;
	_ =	strace $0xD0000000  }
0x3: {  	_ = 	snop  }
0x4: {  	_ = 	snop  }
0x5: {  	_ = 	snop  }
0x6: {  	_ = 	snop  }
0x7: {  	_ = 	snop  }
__scs_overlays_trampoline_lowered:
0x8: {  	[smem:$0x3FA9] =	sst s0  }
0x9: {  	[smem:$0x3FAA] =	sst s1  }
0xa: {  	[smem:$0x3FAB] =	sst s2  }
0xb: {  	[smem:$0x3FAC] =	sst s3  }
0xc: {  	[smem:$0x3FAD] =	sst s4  }
0xd: {  	[smem:$0x3FAE] =	sst s5  }
0xe: {  	[smem:$0x3FAF] =	sst s6  }
0xf: {  	[smem:$0x3FB0] =	sst s7  }
0x10: {  	[smem:$0x3FB1] =	sst s8  }
0x11: {  	[smem:$0x3FB2] =	sst s9;
	s0 =	simm.s32 @!p0 $0x0  }
0x12: {  	s1 =	sld [smem:$0x3F98];
	s0 =	simm.s32 @p0 $0x1  }
0x13: {  	[smem:$0x3FB3] =	sst s0;
	s0 =	simm.s32 @!p1 $0x0  }
0x14: {  	s2 =	sld [smem:$0x3F97];
	s0 =	simm.s32 @p1 $0x1  }
0x15: {  	[smem:$0x3FB4] =	sst s0;
	s0 =	simm.s32 @!p2 $0x0  }
0x16: {  	s3 =	sld [smem:$0x3FDB];
	s0 =	simm.s32 @p2 $0x1  }
0x17: {  	s4 =	simm.s32 $0x1BF5;
	[smem:$0x3FB6] =	sst s0  }
0x18: {  	s0 =	sld [smem:$0x3F99];
	_ =	swait.ge [sflag:s4], $0x0  }
0x19: {  	s7 =	sld [smem:$0x3F9A]  }
0x1a: {  	s8 =	sadd.s32 $0xFFFFE003, lr  }
0x1b: {  	s9 =	sadd.s32 $0xFFFFFEF7, lr;
	s5 =	simm.s32 $0xFFFFFFFF;
	p2 =	slt.u32 s8, $0xFFFFF086  }
0x1c: {  	p1 =	slt.u32 s9, $0xF7A;
	s5 =	simm.s32 @!p2 $0x0  }
0x1d: {  	s5 =	simm.s32 @p1 $0x1;
	p0 =	seq.s32 s7, s2  }
0x1e: {  	s7 =	smul.u32 @!p0 $0xF7A, s2;
	p2 =	seq.s32 @!p0 s5, $0x0  }
0x1f: {  	s9 =	smul.u32 $0xF7A, s1;
	s8 =	simm.s32 @!p0 $0x1BF5;
	p2 =	por !p2, p0  }
0x20: {  	[sflag:s8] =	ssyncset.s32 @!p0 $0xFFFFF086;
	s6 =	sadd.s32 @!p0 s3, s7;
	s7 =	simm.s32 @!p0 $0x108  }
0x21: {  	s3 =	sadd.s32 s3, s9;
	s6 =	sadd.s32 @!p0 $0x88, s6;
	s7 =	simm.s32 @p2 $0x1082  }
0x22: {  	[simem:s7], [sflag:s8] =	dma.local @!p0 [hbm:s6], $0xF7A  }
0x23: {  	s9 =	sor.u32 $0xD0000000, s2;
	s6 =	simm.s32 $0x108;
	_ =	swait.ge @!p0 [sflag:s8], $0x0  }
0x24: {  	s3 =	sadd.s32 $0x88, s3;
	s6 =	simm.s32 @!p1 $0x1082;
	[sflag:s4] =	ssyncset.s32 $0xFFFFF086  }
0x25: {  	[simem:s6], [sflag:s4] =	dma.local [hbm:s3], $0xF7A  }
0x26: {  	[smem:$0x3F9A] =	sst s1;
	(tag) =	ssettag s2;
	_ =	strace s9  }
0x27: {  	s1 =	sld [smem:$0x3FAA]  }
0x28: {  	s2 =	sld [smem:$0x3FAB]  }
0x29: {  	s4 =	sld [smem:$0x3FAD]  }
0x2a: {  	p0 =	seq.s32 s5, $0x0;
	s5 =	sld [smem:$0x3FAE]  }
0x2b: {  	s6 =	sld [smem:$0x3FAF]  }
0x2c: {  	s7 =	sld [smem:$0x3FB0]  }
0x2d: {  	s3 =	simm.s32 $0x108;
	s8 =	sld [smem:$0x3FB1]  }
0x2e: {  	s3 =	simm.s32 @!p0 $0x1082;
	s9 =	sld [smem:$0x3FB2]  }
0x2f: {  	lr =	sadd.s32 s0, s3;
	s0 =	sld [smem:$0x3FA9]  }
0x30: {  	s3 =	sld [smem:$0x3FAC]  }
0x31: {  	[smem:$0x3FB5] =	sst s10  }
0x32: {  	s10 =	sld [smem:$0x3FB3];
	_ =	sdelay $0x3  }
0x33: {  	p0 =	seq.s32 s10, $0x1;
	s10 =	sld [smem:$0x3FB5];
	_ =	sdelay $0x3  }
0x34: {  	[smem:$0x3FB5] =	sst s10  }
0x35: {  	s10 =	sld [smem:$0x3FB4];
	_ =	sdelay $0x3  }
0x36: {  	p1 =	seq.s32 s10, $0x1;
	s10 =	sld [smem:$0x3FB5];
	_ =	sdelay $0x3  }
0x37: {  	[smem:$0x3FB5] =	sst s10  }
0x38: {  	s10 =	sld [smem:$0x3FB6]  }
0x39: {  	_ = 	snop;
	(pc) =	sbr.ind lr, $3  }
0x3a: {  	_ = 	snop  }
0x3b: {  	_ = 	snop  }
0x3c: {  	p2 =	seq.s32 s10, $0x1;
	s10 =	sld [smem:$0x3FB5]  }
0x3d: {  	_ =	shalt  }
0x3e: {  	_ =	shalt  }
0x3f: {  	_ =	shalt  }
0x40: {  	_ =	shalt  }
0x41: {  	_ =	shalt  }
0x42: {  	_ =	shalt  }
0x43: {  	_ =	shalt  }
0x44: {  	_ =	shalt  }
0x45: {  	_ =	shalt  }
0x46: {  	_ =	shalt  }
0x47: {  	_ =	shalt  }
0x48: {  	_ =	shalt  }
0x49: {  	_ =	shalt  }
0x4a: {  	_ =	shalt  }
0x4b: {  	_ =	shalt  }
0x4c: {  	_ =	shalt  }
0x4d: {  	_ =	shalt  }
0x4e: {  	_ =	shalt  }
0x4f: {  	_ =	shalt  }
0x50: {  	_ =	shalt  }
0x51: {  	_ =	shalt  }
0x52: {  	_ =	shalt  }
0x53: {  	_ =	shalt  }
0x54: {  	_ =	shalt  }
0x55: {  	_ =	shalt  }
0x56: {  	_ =	shalt  }
0x57: {  	_ =	shalt  }
0x58: {  	_ =	shalt  }
0x59: {  	_ =	shalt  }
0x5a: {  	_ =	shalt  }
0x5b: {  	_ =	shalt  }
0x5c: {  	_ =	shalt  }
0x5d: {  	_ =	shalt  }
0x5e: {  	_ =	shalt  }
0x5f: {  	_ =	shalt  }
0x60: {  	_ =	shalt  }
0x61: {  	_ =	shalt  }
0x62: {  	_ =	shalt  }
0x63: {  	_ =	shalt  }
0x64: {  	_ =	shalt  }
0x65: {  	_ =	shalt  }
0x66: {  	_ =	shalt  }
0x67: {  	_ =	shalt  }
0x68: {  	_ =	shalt  }
0x69: {  	_ =	shalt  }
0x6a: {  	_ =	shalt  }
0x6b: {  	_ =	shalt  }
0x6c: {  	_ =	shalt  }
0x6d: {  	_ =	shalt  }
0x6e: {  	_ =	shalt  }
0x6f: {  	_ =	shalt  }
0x70: {  	_ =	shalt  }
0x71: {  	_ =	shalt  }
0x72: {  	_ =	shalt  }
0x73: {  	_ =	shalt  }
0x74: {  	_ =	shalt  }
0x75: {  	_ =	shalt  }
0x76: {  	_ =	shalt  }
0x77: {  	_ =	shalt  }
0x78: {  	_ =	shalt  }
0x79: {  	_ =	shalt  }
0x7a: {  	_ =	shalt  }
0x7b: {  	_ =	shalt  }
0x7c: {  	_ =	shalt  }
0x7d: {  	_ =	shalt  }
0x7e: {  	_ =	shalt  }
0x7f: {  	_ =	shalt  }
0x80: {  	_ =	shalt  }
0x81: {  	_ =	shalt  }
0x82: {  	_ =	shalt  }
0x83: {  	_ =	shalt  }
0x84: {  	_ =	shalt  }
0x85: {  	_ =	shalt  }
0x86: {  	_ =	shalt  }
0x87: {  	_ =	shalt  }
.Lfunc_end0:
.L_simem_size_0:
called_computation_lowered:
.L_overlay_start_0:
0x88: {  	s2 =	sld [smem:$0x3FD9]  }
0x89: {  	s3 =	sld [smem:$0x3FFE];
	_ =	sdelay $0x1  }
0x8a: {  	s1 =	srdreg.scid  }
0x8b: {  	s0 =	sand.u32 $0x1, s1  }
0x8c: {  	s17 =	sshll.u32 s0, $0xA;
	s2 =	sadd.s32 s3, s2  }
0x8d: {  	s2 =	sadd.s32 s2, s17  }
0x8e: {  	[smem:$0x3FC1] =	sst s2  }
0x8f: {  	_ = 	snop  }
0x90: {  	s2 =	sld [smem:$0x3FD0];
	(tm) =	ssettm $0x1  }
0x91: {  	s18 =	sld [smem:$0x3FFB];
	_ =	sdelay $0x3  }
0x92: {  	_ =	strace s18  }
0x93: {  	s3 =	sld [smem:$0x3FFC];
	_ =	sdelay $0x3  }
0x94: {  	_ =	strace s3  }
0x95: {  	s3 =	sld [smem:$0x3FFD];
	_ =	sdelay $0x3  }
0x96: {  	_ =	strace s3  }
0x97: {  	_ =	strace $0x8FFFFFFF  }
0x98: {  	s19 =	sld [smem:$0x3FDB];
	_ =	sdelay $0x1  }
0x99: {  	s4 =	simm.s32 $_scs_section_size  }
0x9a: {  	s5 =	simm.s32 $_size__tile_overlayer_lowered;
	s6 =	simm.s32 $_tile_overlayer_lowered  }
0x9b: {  	s22 =	simm.s32 $0x1BFF;
	s21 =	sshll.u32 s6, $0x1;
	s3 =	sadd.s32 s4, s19  }
0x9c: {  	s7 =	simm.s32 $0x0;
	s20 =	sshll.u32 s5, $0x1;
	s5 =	sadd.s32 s21, s3  }
0x9d: {  	[timem:s7], [sflag:s22] =	dma.local [hbm:s5], s20  }
0x9e: {  	_ =	swait.ge [sflag:s22], s20  }
0x9f: {  	s4 =	ssub.s32 $0x0, s20;
	[sflag:s22] =	ssyncset.done $0x0  }
0xa0: {  	[sflag:s22] =	ssyncadd.s32 s4;
	_ =	sdelay $0x1  }
0xa1: {  	s23 =	simm.s32 $0x1B8B  }
0xa2: {  	_ =	swait.ge [sflag:s23], $0x1  }
0xa3: {  	[sflag:s23] =	ssyncset.done $0x0  }
0xa4: {  	s25 =	simm.s32 $0x1B8E;
	s24 =	sld [smem:$0x3FFE];
	[sflag:s23] =	ssyncadd.s32 $0xFFFFFFFF  }
0xa5: {  	s26 =	simm.s32 $execute0_lowered;
	[smem:$0x3FD2] =	sst s25  }
0xa6: {  	s5 =	sshll.u32 s26, $0x1;
	_ =	strace $0x80000046;
	[dreg:$0x1] =	wrdreg $0xFFFFFFFF  }
0xa7: {  	s28 =	simm.s32 $_size_execute0_lowered;
	s3 =	sadd.s32 s3, s5;
	[dreg:$0x0] =	wrdreg $0x0  }
0xa8: {  	s5 =	sshll.u32 s28, $0x1;
	[dreg:$0x2] =	wrdreg s3  }
0xa9: {  	[dreg:$0x3] =	wrdreg s5  }
0xaa: {  	[dreg:$0x4] =	wrdreg $0xC0  }
0xab: {  	_ =	task [dreg:s7], $0x5FFFF  }
0xac: {  	[dreg:$0x1] =	wrdreg $0xFFFFFFFF  }
0xad: {  	[dreg:$0x0] =	wrdreg $0x60  }
0xae: {  	[dreg:$0x2] =	wrdreg s24  }
0xaf: {  	[dreg:$0x3] =	wrdreg s2  }
0xb0: {  	[dreg:$0x4] =	wrdreg $0x91800  }
0xb1: {  	[dreg:$0x5] =	wrdreg $0x1D1800  }
0xb2: {  	[dreg:$0x6] =	wrdreg $0x9  }
0xb3: {  	_ =	task.clear_ibuf [dreg:s7], $0x7FFFF;
	_ =	strace $0x90000046  }
0xb4: {  	s29 =	simm.s32 $0x9;
	_ =	strace $0x80000048  }
0xb5: {  	_ =	swait.ge [sflag:s29], $0x1  }
0xb6: {  	[sflag:s29] =	ssyncadd.s32 $0xFFFFFFFF  }
0xb7: {  	_ =	strace $0x90000048  }
0xb8: {  	_ =	sfence  }
0xb9: {  	s30 =	sld [smem:$0x0];
	_ =	sdelay $0x2  }
0xba: {  	s31 =	sshll.u32 s1, $0xD;
	s1 =	sshrl.u32 s1, $0x2  }
0xbb: {  	s3 =	sand.u32 $0x4000, s31;
	s1 =	sadd.s32 s1, s30  }
0xbc: {  	s0 =	sor.u32 s3, s0;
	s1 =	sshll.u32 s1, $0x11  }
0xbd: {  	s0 =	sor.u32 s1, s0  }
0xbe: {  	s0 =	sadd.s32 $0x8F2B, s0  }
0xbf: {  	[sflag:s0] =	ssyncadd.remote.s32 $0x1  }
0xc0: {  	_ =	sfence.sel $0xFFFF  }
0xc1: {  	[dreg:$0x0] =	wrdreg $0xFFFFFFFF;
	(pc) =	sbr.abs _section_cstart, $3  }
0xc2: {  	[dreg:$0x1] =	wrdreg $0xFFFFFFFF  }
0xc3: {  	_ =	task.clear_ibuf [dreg:s7], $0x2FFFF;
	_ =	strace $0x9FFFFFFF  }
0xc4: {  	(tm) =	ssettm $0x7FFFFFFF  }
0xc5: {  	_ =	shalt  }
tec
execute0_lowered:
.L_overlay_start_1:
0x0: {  	(tag) =	ssettag $0x1  }
0x1: {  	s1 =	rddreg [dreg:$0x0]  }
0x2: {  	s2 =	rddreg [dreg:$0x1]  }
0x3: {  	s3 =	rddreg [dreg:$0x2]  }
0x4: {  	s4 =	rddreg [dreg:$0x3];
	s5 =	simm.s32 $0x0;
	s0 =	srdreg.scid  }
0x5: {  	s16 =	stileid.u32;
	s28 =	simm.s32 $0x2780;
	s30 =	simm.s32 $0x5180  }
0x6: {  	s31 =	simm.s32 $0x5100;
	s29 =	simm.s32 $0x80;
	[smem:$0x7FF] =	sst s5  }
0x7: {  	s0 =	sand.u32 $0x1, s0;
	s7 =	sadd.s32 $0xA000, s1;
	s9 =	smul.u32 $0x14000, s16  }
0x8: {  	s8 =	sadd.s32 $0x14C00, s1;
	s10 =	sadd.s32 $0x14000, s1;
	s13 =	sadd.s32 $0x14600, s1  }
0x9: {  	s14 =	sadd.s32 $0x1EC00, s1;
	s11 =	smul.u32 $0x280, s16;
	s18 =	sshll.u32 s16, $0x1  }
0xa: {  	s6 =	smul.u32 $0x140000, s0;
	_ =	strace $0x80000047;
	[dreg:$0x5] =	wrdreg s10  }
0xb: {  	p0 =	sne.s32 s16, $0x0;
	[dreg:$0x6] =	wrdreg s13;
	s15 =	smul.u32 $0x500, s0  }
0xc: {  	[dreg:$0x7] =	wrdreg s14;
	s17 =	ssub.s32 $0x2, s0;
	s13 =	smul.u32 $0x50000, s16  }
0xd: {  	s0 =	sor.u32 s0, s18;
	s12 =	sshrl.u32 s17, $0x1;
	s20 =	sadd.s32 $0x80, s11  }
0xe: {  	s23 =	sadd.s32 $0x180, s11;
	s6 =	sadd.s32 s9, s6;
	s9 =	sadd.s32 s15, s1  }
0xf: {  	s10 =	ssub.s32 s17, s12;
	s19 =	sshrl.u32 s13, $0x2;
	s14 =	sshll.u32 s20, $0x7  }
0x10: {  	s15 =	sadd.s32 $0x100, s11;
	s17 =	sadd.s32 s11, s4;
	s13 =	sadd.s32 s20, s4  }
0x11: {  	s25 =	sshll.u32 s23, $0x7;
	s11 =	sadd.s32 $0x200, s11;
	s6 =	sshrl.u32 s6, $0x3  }
0x12: {  	s12 =	sadd.s32 s19, s3;
	[dreg:$0x8] =	wrdreg s17;
	s14 =	sadd.s32 s14, s3  }
0x13: {  	s21 =	sshll.u32 s15, $0x7;
	[dreg:$0xa] =	wrdreg s13;
	s24 =	sadd.s32 s15, s4  }
0x14: {  	s19 =	sadd.s32 s23, s4;
	s26 =	sshll.u32 s11, $0x7;
	[dreg:$0x9] =	wrdreg s14  }
0x15: {  	s6 =	sadd.s32 s6, s1;
	s22 =	sadd.s32 s21, s3;
	[dreg:$0xc] =	wrdreg s24  }
0x16: {  	s14 =	sadd.s32 s25, s3;
	s20 =	sadd.s32 s26, s3;
	s21 =	sadd.s32 s11, s4  }
0x17: {  	s24 =	sadd.s32 $0x6EE00, s9;
	s25 =	smax.u32 s10, $0x1;
	s26 =	simm.s32 $0x2  }
0x18: {  	s9 =	simm.s32 $0x5080;
	s10 =	simm.s32 $0x1;
	[dreg:$0xb] =	wrdreg s22  }
0x19: {  	s11 =	simm.s32 $0x0;
	[dreg:$0xd] =	wrdreg s14;
	s22 =	smul.u32 $0x50, s0  }
0x1a: {  	v0 =	vimm.f32 $0.0e+00;
	s23 =	sadd.s32 $0x1EE00, s6;
	s0 =	simm.s32 $0x4F80;
	s6 =	simm.s32 $0x5000  }
.LBB2_1:
0x1b: {  	s13 =	rddreg [dreg:$0x5]  }
0x1c: {  	[tilespmem:s5], [sflag:$0x2] =	stream.linear.gather [hbm4b:s13+s5], $0x2780, $0x38;
	[tilespmem:$0x1D400] =	vst v63  }
0x1d: {  	_ =	swait.ge [sflag:s26], $0x2780  }
0x1e: {  	[sflag:s26] =	ssyncset.done $0x0  }
0x1f: {  	s16 =	rddreg [dreg:$0x6];
	[sflag:s26] =	ssyncadd.s32 $0xFFFFD880  }
0x20: {  	[tilespmem:s28], [sflag:$0x2] =	stream.linear.gather [hbm4b:s16+s5], $0x2780, $0x38;
	[tilespmem:$0x1D400] =	vst v63  }
0x21: {  	_ =	swait.ge [sflag:s26], $0x2780  }
0x22: {  	[sflag:s26] =	ssyncset.done $0x0  }
0x23: {  	s14 =	simm.s32 $0x4F00;
	s17 =	rddreg [dreg:$0x7];
	[sflag:s26] =	ssyncadd.s32 $0xFFFFD880  }
0x24: {  	[tilespmem:s14], [sflag:$0x2] =	stream.linear.gather [hbm4b:s17+s5], $0x80, $0x38;
	[tilespmem:$0x1D400] =	vst v63  }
0x25: {  	_ =	swait.ge [sflag:s26], $0x80  }
0x26: {  	[sflag:s26] =	ssyncset.done $0x0  }
0x27: {  	s18 =	simm.s32 $0x0;
	[sflag:s26] =	ssyncadd.s32 $0xFFFFFF80  }
0x28: {  	s13 =	simm.s32 $0x5200;
	s14 =	simm.s32 $0x40;
	[tilespmem:s18+$0x5100] =	vst v0  }
.LBB2_2:
0x29: {  	p1 =	sne.s32 s14, $0xFC0;
	[tilespmem:s13+$0xFFFFFF80] =	vst v0  }
0x2a: {  	[tilespmem:s13+$0x0] =	vst v0  }
0x2b: {  	[tilespmem:s13+$0xFFFFFF90] =	vst v0  }
0x2c: {  	[tilespmem:s13+$0x10] =	vst v0  }
0x2d: {  	[tilespmem:s13+$0xFFFFFFA0] =	vst v0  }
0x2e: {  	[tilespmem:s13+$0x20] =	vst v0  }
0x2f: {  	[tilespmem:s13+$0xFFFFFFB0] =	vst v0  }
0x30: {  	[tilespmem:s13+$0x30] =	vst v0  }
0x31: {  	[tilespmem:s13+$0xFFFFFFC0] =	vst v0  }
0x32: {  	[tilespmem:s13+$0x40] =	vst v0  }
0x33: {  	[tilespmem:s13+$0xFFFFFFD0] =	vst v0  }
0x34: {  	[tilespmem:s13+$0x50] =	vst v0  }
.Ltmp0:
0x35: {  	[tilespmem:s13+$0xFFFFFFE0] =	vst v0;
	(pc) =	sbr.rel @p1 .LBB2_2-.Ltmp0, $4  }
0x36: {  	[tilespmem:s13+$0x60] =	vst v0  }
0x37: {  	[tilespmem:s13+$0xFFFFFFF0] =	vst v0  }
0x38: {  	s15 =	sshra.s32 s14, $0x2;
	[tilespmem:s13+$0x70] =	vst v0  }
0x39: {  	s14 =	sadd.s32 $0x40, s14;
	s13 =	sadd.s32 $0x100, s13;
	[tilespmem:s15+$0x5100] =	vst v0  }
0x3a: {  	[tilespmem:s13+$0xFFFFFF80] =	vst v0  }
0x3b: {  	[tilespmem:s13+$0x0] =	vst v0  }
0x3c: {  	[tilespmem:s13+$0xFFFFFF90] =	vst v0  }
0x3d: {  	[tilespmem:s13+$0x10] =	vst v0  }
0x3e: {  	[tilespmem:s13+$0xFFFFFFA0] =	vst v0  }
0x3f: {  	[tilespmem:s13+$0x20] =	vst v0  }
0x40: {  	[tilespmem:s13+$0xFFFFFFB0] =	vst v0  }
0x41: {  	[tilespmem:s13+$0x30] =	vst v0  }
0x42: {  	[tilespmem:s13+$0xFFFFFFC0] =	vst v0  }
0x43: {  	[tilespmem:s13+$0x40] =	vst v0  }
0x44: {  	[tilespmem:s13+$0xFFFFFFD0] =	vst v0  }
0x45: {  	[tilespmem:s13+$0x50] =	vst v0  }
0x46: {  	[tilespmem:s13+$0xFFFFFFE0] =	vst v0  }
0x47: {  	[tilespmem:s13+$0x60] =	vst v0  }
0x48: {  	[tilespmem:s13+$0xFFFFFFF0] =	vst v0  }
0x49: {  	[tilespmem:s13+$0x70] =	vst v0  }
0x4a: {  	[spmem:s12] =	stream.linear.scatter [tilespmem:s30], [sflag:$0x2], $0x4000, $0x38;
	[tilespmem:$0x1D400] =	vst v63  }
0x4b: {  	_ =	swait.ge [sflag:s26], $0x4000  }
0x4c: {  	[sflag:s26] =	ssyncset.done $0x0  }
0x4d: {  	s18 =	rddreg [dreg:$0x8];
	[sflag:s26] =	ssyncadd.s32 $0xFFFFC000  }
0x4e: {  	[spmem:s18] =	stream.linear.scatter [tilespmem:s31], [sflag:$0x2], $0x80, $0x38;
	[tilespmem:$0x1D400] =	vst v63  }
0x4f: {  	_ =	swait.ge [sflag:s26], $0x80  }
0x50: {  	[sflag:s26] =	ssyncset.done $0x0  }
0x51: {  	s14 =	rddreg [dreg:$0x9];
	[sflag:s26] =	ssyncadd.s32 $0xFFFFFF80  }
0x52: {  	[spmem:s14] =	stream.linear.scatter [tilespmem:s30], [sflag:$0x2], $0x4000, $0x38;
	[tilespmem:$0x1D400] =	vst v63  }
0x53: {  	_ =	swait.ge [sflag:s26], $0x4000  }
0x54: {  	[sflag:s26] =	ssyncset.done $0x0  }
0x55: {  	s15 =	rddreg [dreg:$0xa];
	[sflag:s26] =	ssyncadd.s32 $0xFFFFC000  }
0x56: {  	[spmem:s15] =	stream.linear.scatter [tilespmem:s31], [sflag:$0x2], $0x80, $0x38;
	[tilespmem:$0x1D400] =	vst v63  }
0x57: {  	_ =	swait.ge [sflag:s26], $0x80  }
0x58: {  	[sflag:s26] =	ssyncset.done $0x0  }
0x59: {  	s16 =	rddreg [dreg:$0xb];
	[sflag:s26] =	ssyncadd.s32 $0xFFFFFF80  }
0x5a: {  	[spmem:s16] =	stream.linear.scatter [tilespmem:s30], [sflag:$0x2], $0x4000, $0x38;
	[tilespmem:$0x1D400] =	vst v63  }
0x5b: {  	_ =	swait.ge [sflag:s26], $0x4000  }
0x5c: {  	[sflag:s26] =	ssyncset.done $0x0  }
0x5d: {  	s17 =	rddreg [dreg:$0xc];
	[sflag:s26] =	ssyncadd.s32 $0xFFFFC000  }
0x5e: {  	[spmem:s17] =	stream.linear.scatter [tilespmem:s31], [sflag:$0x2], $0x80, $0x38;
	[tilespmem:$0x1D400] =	vst v63  }
0x5f: {  	_ =	swait.ge [sflag:s26], $0x80  }
0x60: {  	[sflag:s26] =	ssyncset.done $0x0  }
0x61: {  	s18 =	rddreg [dreg:$0xd];
	[sflag:s26] =	ssyncadd.s32 $0xFFFFFF80  }
0x62: {  	[spmem:s18] =	stream.linear.scatter [tilespmem:s30], [sflag:$0x2], $0x4000, $0x38;
	[tilespmem:$0x1D400] =	vst v63  }
0x63: {  	_ =	swait.ge [sflag:s26], $0x4000  }
0x64: {  	[sflag:s26] =	ssyncset.done $0x0  }
0x65: {  	[sflag:s26] =	ssyncadd.s32 $0xFFFFC000  }
0x66: {  	[spmem:s19] =	stream.linear.scatter [tilespmem:s31], [sflag:$0x2], $0x80, $0x38;
	[tilespmem:$0x1D400] =	vst v63  }
0x67: {  	_ =	swait.ge [sflag:s26], $0x80  }
0x68: {  	[sflag:s26] =	ssyncset.done $0x0  }
0x69: {  	[sflag:s26] =	ssyncadd.s32 $0xFFFFFF80  }
0x6a: {  	[spmem:s20] =	stream.linear.scatter [tilespmem:s30], [sflag:$0x2], $0x4000, $0x38;
	[tilespmem:$0x1D400] =	vst v63  }
0x6b: {  	_ =	swait.ge [sflag:s26], $0x4000  }
0x6c: {  	[sflag:s26] =	ssyncset.done $0x0  }
0x6d: {  	[sflag:s26] =	ssyncadd.s32 $0xFFFFC000  }
0x6e: {  	[spmem:s21] =	stream.linear.scatter [tilespmem:s31], [sflag:$0x2], $0x80, $0x38;
	[tilespmem:$0x1D400] =	vst v63  }
0x6f: {  	_ =	swait.ge [sflag:s26], $0x80  }
0x70: {  	[sflag:s26] =	ssyncset.done $0x0  }
0x71: {  	[sflag:s26] =	ssyncadd.s32 $0xFFFFFF80  }
0x72: {  	[bflag:$0x0] =	sbarrier.arrive $0xFFFF  }
0x73: {  	s13 =	simm.s32 $0x0;
	s14 =	simm.s32 $0x0;
	v1 =	vld [tilespmem:$0x4F00]  }
.LBB2_4:
0x74: {  	s15 =	sadd.s32 s22, s14  }
0x75: {  	s15 =	sshll.u32 s15, $0x4  }
0x76: {  	s16 =	sadd.s32 s1, s15  }
0x77: {  	[tilespmem:s0], [sflag:$0x2] =	stream.linear.gather [hbm4b:s16+s13], $0x80, $0x38;
	[tilespmem:$0x1D400] =	vst v63  }
0x78: {  	_ =	swait.ge [sflag:s26], $0x80  }
0x79: {  	[sflag:s26] =	ssyncset.done $0x0  }
0x7a: {  	[sflag:s26] =	ssyncadd.s32 $0xFFFFFF80  }
0x7b: {  	[tilespmem:s30], [sflag:$0x1] =	stream.indirect.gather [hbm4b:s2+s29], $0x80, s0, s29, $0xb8;
	[tilespmem:$0x1D400] =	vst v63  }
0x7c: {  	s18 =	sadd.s32 s7, s15  }
0x7d: {  	[tilespmem:s6], [sflag:$0x2] =	stream.linear.gather [hbm4b:s18+s13], $0x80, $0x38;
	[tilespmem:$0x1D400] =	vst v63  }
0x7e: {  	_ =	swait.ge [sflag:s26], $0x80  }
0x7f: {  	[sflag:s26] =	ssyncset.done $0x0  }
0x80: {  	s15 =	sadd.s32 s8, s15;
	[sflag:s26] =	ssyncadd.s32 $0xFFFFFF80  }
0x81: {  	[tilespmem:s9], [sflag:$0x2] =	stream.linear.gather [hbm4b:s15+s13], $0x80, $0x38;
	[tilespmem:$0x1D400] =	vst v63  }
0x82: {  	_ =	swait.ge [sflag:s26], $0x80  }
0x83: {  	[sflag:s26] =	ssyncset.done $0x0  }
0x84: {  	[sflag:s26] =	ssyncadd.s32 $0xFFFFFF80  }
0x85: {  	v2 =	vld [tilespmem:$0x5000]  }
0x86: {  	v3 =	vld [tilespmem:$0x4F80];
	_ =	sdelay $0x6  }
0x87: {  	v2 =	vld.idx.msk [tilespmem:v2+s13+$0x0], $0xffff  }
0x88: {  	v3 =	vld.idx.msk [tilespmem:v3+s28+$0x0], $0xffff;
	_ =	sdelay $0x1  }
0x89: {  	v4 =	vld [tilespmem:$0x5080];
	_ =	sdelay $0x2  }
0x8a: {  	v2 =	vadd.f32 v3, v2;
	_ =	sdelay $0x1  }
0x8b: {  	v2 =	vadd.f32 v4, v2;
	_ =	sdelay $0x1  }
0x8c: {  	v3 =	vmul.f32 $2.000000030e-01, v2  }
0x8d: {  	vm0 =	vge.f32 v2, $0.0e+00  }
0x8e: {  	v2 =	vsel vm0, v2, v3  }
0x8f: {  	v2 =	vsub.f32 v2, v1;
	_ =	sdelay $0x1  }
0x90: {  	v2 =	vmul.f32 $1.442695020e+00, v2;
	_ =	sdelay $0x1  }
0x91: {  	(erf) = vpow2.f32 v2;
	_ =	sdelay $0x2  }
0x92: {  	v2 =	vld [tilespmem:$0x5010]  }
0x93: {  	v3 =	vld [tilespmem:$0x4F90];
	_ =	sdelay $0x4  }
0x94: {  	v4 =	vpop (erf)  }
0x95: {  	[tilespmem:$0x5100] =	vst v4  }
0x96: {  	v2 =	vld.idx.msk [tilespmem:v2+s13+$0x0], $0xffff  }
0x97: {  	v3 =	vld.idx.msk [tilespmem:v3+s28+$0x0], $0xffff;
	_ =	sdelay $0x1  }
0x98: {  	v4 =	vld [tilespmem:$0x5090];
	_ =	sdelay $0x2  }
0x99: {  	v2 =	vadd.f32 v3, v2;
	_ =	sdelay $0x1  }
0x9a: {  	v2 =	vadd.f32 v4, v2;
	_ =	sdelay $0x1  }
0x9b: {  	v3 =	vmul.f32 $2.000000030e-01, v2  }
0x9c: {  	vm9 =	vge.f32 v2, $0.0e+00  }
0x9d: {  	v2 =	vsel vm9, v2, v3  }
0x9e: {  	v2 =	vsub.f32 v2, v1;
	_ =	sdelay $0x1  }
0x9f: {  	v2 =	vmul.f32 $1.442695020e+00, v2;
	_ =	sdelay $0x1  }
0xa0: {  	(erf) = vpow2.f32 v2;
	_ =	sdelay $0x2  }
0xa1: {  	v2 =	vld [tilespmem:$0x5020]  }
0xa2: {  	v3 =	vld [tilespmem:$0x4FA0];
	_ =	sdelay $0x4  }
0xa3: {  	v4 =	vpop (erf)  }
0xa4: {  	[tilespmem:$0x5110] =	vst v4  }
0xa5: {  	v2 =	vld.idx.msk [tilespmem:v2+s13+$0x0], $0xffff  }
0xa6: {  	v3 =	vld.idx.msk [tilespmem:v3+s28+$0x0], $0xffff;
	_ =	sdelay $0x1  }
0xa7: {  	v4 =	vld [tilespmem:$0x50A0];
	_ =	sdelay $0x2  }
0xa8: {  	v2 =	vadd.f32 v3, v2;
	_ =	sdelay $0x1  }
0xa9: {  	v2 =	vadd.f32 v4, v2;
	_ =	sdelay $0x1  }
0xaa: {  	v3 =	vmul.f32 $2.000000030e-01, v2  }
0xab: {  	vm10 =	vge.f32 v2, $0.0e+00  }
0xac: {  	v2 =	vsel vm10, v2, v3  }
0xad: {  	v2 =	vsub.f32 v2, v1;
	_ =	sdelay $0x1  }
0xae: {  	v2 =	vmul.f32 $1.442695020e+00, v2;
	_ =	sdelay $0x1  }
0xaf: {  	(erf) = vpow2.f32 v2;
	_ =	sdelay $0x2  }
0xb0: {  	v2 =	vld [tilespmem:$0x5030]  }
0xb1: {  	v3 =	vld [tilespmem:$0x4FB0];
	_ =	sdelay $0x4  }
0xb2: {  	v4 =	vpop (erf)  }
0xb3: {  	[tilespmem:$0x5120] =	vst v4  }
0xb4: {  	v2 =	vld.idx.msk [tilespmem:v2+s13+$0x0], $0xffff  }
0xb5: {  	v3 =	vld.idx.msk [tilespmem:v3+s28+$0x0], $0xffff;
	_ =	sdelay $0x1  }
0xb6: {  	v4 =	vld [tilespmem:$0x50B0];
	_ =	sdelay $0x2  }
0xb7: {  	v2 =	vadd.f32 v3, v2;
	_ =	sdelay $0x1  }
0xb8: {  	v2 =	vadd.f32 v4, v2;
	_ =	sdelay $0x1  }
0xb9: {  	v3 =	vmul.f32 $2.000000030e-01, v2  }
0xba: {  	vm11 =	vge.f32 v2, $0.0e+00  }
0xbb: {  	v2 =	vsel vm11, v2, v3  }
0xbc: {  	v2 =	vsub.f32 v2, v1;
	_ =	sdelay $0x1  }
0xbd: {  	v2 =	vmul.f32 $1.442695020e+00, v2;
	_ =	sdelay $0x1  }
0xbe: {  	(erf) = vpow2.f32 v2;
	_ =	sdelay $0x2  }
0xbf: {  	v2 =	vld [tilespmem:$0x5040]  }
0xc0: {  	v3 =	vld [tilespmem:$0x4FC0];
	_ =	sdelay $0x4  }
0xc1: {  	v4 =	vpop (erf)  }
0xc2: {  	[tilespmem:$0x5130] =	vst v4  }
0xc3: {  	v2 =	vld.idx.msk [tilespmem:v2+s13+$0x0], $0xffff  }
0xc4: {  	v3 =	vld.idx.msk [tilespmem:v3+s28+$0x0], $0xffff;
	_ =	sdelay $0x1  }
0xc5: {  	v4 =	vld [tilespmem:$0x50C0];
	_ =	sdelay $0x2  }
0xc6: {  	v2 =	vadd.f32 v3, v2;
	_ =	sdelay $0x1  }
0xc7: {  	v2 =	vadd.f32 v4, v2;
	_ =	sdelay $0x1  }
0xc8: {  	v3 =	vmul.f32 $2.000000030e-01, v2  }
0xc9: {  	vm12 =	vge.f32 v2, $0.0e+00  }
0xca: {  	v2 =	vsel vm12, v2, v3  }
0xcb: {  	v2 =	vsub.f32 v2, v1;
	_ =	sdelay $0x1  }
0xcc: {  	v2 =	vmul.f32 $1.442695020e+00, v2;
	_ =	sdelay $0x1  }
0xcd: {  	(erf) = vpow2.f32 v2;
	_ =	sdelay $0x2  }
0xce: {  	v2 =	vld [tilespmem:$0x5050]  }
0xcf: {  	v3 =	vld [tilespmem:$0x4FD0];
	_ =	sdelay $0x4  }
0xd0: {  	v4 =	vpop (erf)  }
0xd1: {  	[tilespmem:$0x5140] =	vst v4  }
0xd2: {  	v2 =	vld.idx.msk [tilespmem:v2+s13+$0x0], $0xffff  }
0xd3: {  	v3 =	vld.idx.msk [tilespmem:v3+s28+$0x0], $0xffff;
	_ =	sdelay $0x1  }
0xd4: {  	v4 =	vld [tilespmem:$0x50D0];
	_ =	sdelay $0x2  }
0xd5: {  	v2 =	vadd.f32 v3, v2;
	_ =	sdelay $0x1  }
0xd6: {  	v2 =	vadd.f32 v4, v2;
	_ =	sdelay $0x1  }
0xd7: {  	v3 =	vmul.f32 $2.000000030e-01, v2  }
0xd8: {  	vm13 =	vge.f32 v2, $0.0e+00  }
0xd9: {  	v2 =	vsel vm13, v2, v3  }
0xda: {  	v2 =	vsub.f32 v2, v1;
	_ =	sdelay $0x1  }
0xdb: {  	v2 =	vmul.f32 $1.442695020e+00, v2;
	_ =	sdelay $0x1  }
0xdc: {  	(erf) = vpow2.f32 v2;
	_ =	sdelay $0x2  }
0xdd: {  	v2 =	vld [tilespmem:$0x5060]  }
0xde: {  	v3 =	vld [tilespmem:$0x4FE0];
	_ =	sdelay $0x4  }
0xdf: {  	v4 =	vpop (erf)  }
0xe0: {  	[tilespmem:$0x5150] =	vst v4  }
0xe1: {  	v2 =	vld.idx.msk [tilespmem:v2+s13+$0x0], $0xffff  }
0xe2: {  	v3 =	vld.idx.msk [tilespmem:v3+s28+$0x0], $0xffff;
	_ =	sdelay $0x1  }
0xe3: {  	v4 =	vld [tilespmem:$0x50E0];
	_ =	sdelay $0x2  }
0xe4: {  	v2 =	vadd.f32 v3, v2;
	_ =	sdelay $0x1  }
0xe5: {  	v2 =	vadd.f32 v4, v2;
	_ =	sdelay $0x1  }
0xe6: {  	v3 =	vmul.f32 $2.000000030e-01, v2  }
0xe7: {  	vm14 =	vge.f32 v2, $0.0e+00  }
0xe8: {  	v2 =	vsel vm14, v2, v3  }
0xe9: {  	v2 =	vsub.f32 v2, v1;
	_ =	sdelay $0x1  }
0xea: {  	v2 =	vmul.f32 $1.442695020e+00, v2;
	_ =	sdelay $0x1  }
0xeb: {  	(erf) = vpow2.f32 v2;
	_ =	sdelay $0x2  }
0xec: {  	v2 =	vld [tilespmem:$0x5070]  }
0xed: {  	v3 =	vld [tilespmem:$0x4FF0];
	_ =	sdelay $0x4  }
0xee: {  	v4 =	vpop (erf)  }
0xef: {  	[tilespmem:$0x5160] =	vst v4  }
0xf0: {  	v2 =	vld.idx.msk [tilespmem:v2+s13+$0x0], $0xffff  }
0xf1: {  	v3 =	vld.idx.msk [tilespmem:v3+s28+$0x0], $0xffff;
	_ =	sdelay $0x1  }
0xf2: {  	v4 =	vld [tilespmem:$0x50F0];
	_ =	sdelay $0x2  }
0xf3: {  	v2 =	vadd.f32 v3, v2;
	_ =	sdelay $0x1  }
0xf4: {  	v2 =	vadd.f32 v4, v2;
	_ =	sdelay $0x1  }
0xf5: {  	v3 =	vmul.f32 $2.000000030e-01, v2  }
0xf6: {  	vm15 =	vge.f32 v2, $0.0e+00  }
0xf7: {  	v2 =	vsel vm15, v2, v3  }
0xf8: {  	v2 =	vsub.f32 v2, v1;
	_ =	sdelay $0x1  }
0xf9: {  	v2 =	vmul.f32 $1.442695020e+00, v2;
	_ =	sdelay $0x1  }
0xfa: {  	(erf) = vpow2.f32 v2;
	_ =	sdelay $0x8  }
0xfb: {  	v2 =	vpop (erf)  }
0xfc: {  	[tilespmem:$0x5170] =	vst v2  }
0xfd: {  	_ =	swait.ge [sflag:s10], $0x4000  }
0xfe: {  	v2 =	vmov s13;
	[sflag:s10] =	ssyncset.done $0x0  }
0xff: {  	s15 =	simm.s32 $0x51C0;
	[sflag:s10] =	ssyncadd.s32 $0xFFFFC000  }
0x100: {  	v6 =	vld [tilespmem:s15+$0x30]  }
0x101: {  	v9 =	vld [tilespmem:s15+$0x10]  }
0x102: {  	v7 =	vld [tilespmem:s15+$0xFFFFFFC0]  }
0x103: {  	v3 =	vld.idx.msk [tilespmem:v2+s31+$0x0], $0xffff  }
0x104: {  	v11 =	vld [tilespmem:s15+$0xFFFFFFE0]  }
0x105: {  	v4 =	vld [tilespmem:s15+$0x20]  }
0x106: {  	v5 =	vld [tilespmem:s15+$0xFFFFFFD0]  }
0x107: {  	v2 =	vld [tilespmem:s15+$0xFFFFFFF0]  }
0x108: {  	v10 =	vmul.f32 v6, v3;
	v6 =	vld [tilespmem:s15+$0x0]  }
0x109: {  	v8 =	vmul.f32 v7, v3  }
0x10a: {  	s17 =	simm.s32 $0x51C0;
	s16 =	simm.s32 $0x1;
	v7 =	vmul.f32 v11, v3;
	v9 =	vmul.f32 v9, v3  }
.LBB2_5:
0x10b: {  	p1 =	sne.s32 s16, $0x7F  }
0x10c: {  	v5 =	vmul.f32 v5, v3;
	v4 =	vmul.f32 v4, v3;
	[tilespmem:s15+$0x30] =	vst v10;
	s17 =	sadd.s32 $0x80, s17;
	s18 =	smov.u32 s16;
	s16 =	sadd.s32 $0x1, s16  }
0x10d: {  	[tilespmem:s15+$0xFFFFFFC0] =	vst v8;
	v8 =	vmul.f32 v2, v3;
	v3 =	vmul.f32 v6, v3  }
0x10e: {  	[tilespmem:s15+$0x10] =	vst v9  }
0x10f: {  	v6 =	vmov s18;
	[tilespmem:s15+$0xFFFFFFE0] =	vst v7  }
0x110: {  	v2 =	vld [tilespmem:s17+$0xFFFFFFF0];
	[tilespmem:s15+$0xFFFFFFF0] =	vst v8  }
0x111: {  	v7 =	vld [tilespmem:s17+$0x30];
	[tilespmem:s15+$0x0] =	vst v3  }
0x112: {  	v9 =	vld [tilespmem:s17+$0x10];
	[tilespmem:s15+$0x20] =	vst v4  }
0x113: {  	v8 =	vld [tilespmem:s17+$0xFFFFFFC0];
	[tilespmem:s15+$0xFFFFFFD0] =	vst v5;
	s15 =	smov.u32 s17  }
0x114: {  	v3 =	vld.idx.msk [tilespmem:v6+s31+$0x0], $0xffff  }
0x115: {  	v11 =	vld [tilespmem:s17+$0xFFFFFFE0]  }
0x116: {  	v4 =	vld [tilespmem:s17+$0x20]  }
.Ltmp1:
0x117: {  	v5 =	vld [tilespmem:s17+$0xFFFFFFD0];
	(pc) =	sbr.rel @p1 .LBB2_5-.Ltmp1, $3  }
0x118: {  	v6 =	vld [tilespmem:s17+$0x0];
	_ =	sdelay $0x1  }
0x119: {  	v8 =	vmul.f32 v8, v3;
	v10 =	vmul.f32 v7, v3  }
0x11a: {  	v9 =	vmul.f32 v9, v3;
	v7 =	vmul.f32 v11, v3  }
0x11b: {  	[tilespmem:s15+$0x30] =	vst v10  }
0x11c: {  	[tilespmem:s15+$0xFFFFFFC0] =	vst v8  }
0x11d: {  	v2 =	vmul.f32 v2, v3;
	[tilespmem:s15+$0x10] =	vst v9  }
0x11e: {  	v4 =	vmul.f32 v4, v3;
	[tilespmem:s15+$0xFFFFFFE0] =	vst v7  }
0x11f: {  	v6 =	vmul.f32 v6, v3;
	[tilespmem:s15+$0xFFFFFFF0] =	vst v2  }
0x120: {  	v2 =	vmul.f32 v5, v3;
	[tilespmem:s15+$0x20] =	vst v4  }
0x121: {  	[tilespmem:s15+$0x0] =	vst v6  }
0x122: {  	[tilespmem:s15+$0xFFFFFFD0] =	vst v2  }
0x123: {  	[spmem:s3] =	stream.indirect.scatter.add.f32 [tilespmem:s30], [sflag:$0x2], $0x80, s6, s29, $0xb8;
	[tilespmem:$0x1D400] =	vst v63  }
0x124: {  	s14 =	sadd.s32 $0x1, s14;
	_ =	swait.ge [sflag:s26], $0x4000  }
0x125: {  	p1 =	sne.s32 s14, $0x50;
	[sflag:s26] =	ssyncset.done $0x0  }
.Ltmp2:
0x126: {  	[sflag:s26] =	ssyncadd.s32 $0xFFFFC000;
	(pc) =	sbr.rel @p1 .LBB2_4-.Ltmp2, $4  }
0x127: {  	[spmem:s4] =	stream.indirect.scatter.add.f32 [tilespmem:s31], [sflag:$0x2], $0x1, s6, s29, $0xb8;
	[tilespmem:$0x1D400] =	vst v63  }
0x128: {  	_ =	swait.ge [sflag:s26], $0x80  }
0x129: {  	[sflag:s26] =	ssyncset.done $0x0  }
0x12a: {  	[sflag:s26] =	ssyncadd.s32 $0xFFFFFF80  }
0x12b: {  	s13 =	stileid.u32  }
0x12c: {  	s13 =	sshll.u32 s13, $0x6  }
0x12d: {  	[bflag:$0x0] =	sbarrier.arrive $0xFFFF;
	s14 =	sshrl.u32 s12, $0x3;
	s13 =	sor.u32 $0x1C02, s13  }
0x12e: {  	[hbm:s23], [sflag:s13] =	dma.local [spmem:s14], $0x2800  }
0x12f: {  	_ =	swait.ge [sflag:s26], $0x2800  }
0x130: {  	s11 =	sadd.s32 $0x1, s11;
	[sflag:s26] =	ssyncset.done $0x0  }
0x131: {  	p1 =	sne.s32 s11, s25;
	s14 =	sshrl.u32 @!p0 s4, $0x3;
	[sflag:s26] =	ssyncadd.s32 $0xFFFFD800  }
0x132: {  	[hbm:s24], [sflag:s13] =	dma.local @!p0 [spmem:s14], $0x500  }
.Ltmp3:
0x133: {  	_ = 	snop;
	(pc) =	sbr.rel @p1 .LBB2_1-.Ltmp3, $4  }
0x134: {  	s13 =	simm.s32 @!p0 $0x2  }
0x135: {  	_ =	swait.ge @!p0 [sflag:s13], $0x500  }
0x136: {  	[sflag:s13] =	ssyncset.done @!p0 $0x0  }
0x137: {  	[sflag:s13] =	ssyncadd.s32 @!p0 $0xFFFFFB00  }
0x138: {  	_ =	sfence.sel $0x180000  }
0x139: {  	[bflag:$0x0] =	sbarrier.arrive $0xFFFF  }
0x13a: {  	_ =	strace $0x90000047  }
0x13b: {  	[bflag:$0x2] =	sbarrier.arrive $0xFFFF  }
0x13c: {  	s0 =	rddreg [dreg:$0x4]  }
0x13d: {  	s0 =	sadd.s32 @!p0 $0x100000, s0  }
0x13e: {  	[sflag:s0] =	ssyncadd.tile.s32 @!p0 $0x1;
	_ =	shalt  }
.Lfunc_end2:
_tile_overlayer_lowered:
.L_overlay_start_2:
0x13f: {  	(tag) =	ssettag $0x2  }
0x140: {  	s0 =	rddreg [dreg:$0x0];
	s2 =	stileid.u32  }
0x141: {  	s1 =	rddreg [dreg:$0x1];
	p0 =	sne.s32 s2, $0x0  }
0x142: {  	s3 =	rddreg [dreg:$0x2];
	[bflag:$0x3] =	sbarrier.arrive $0xFFFF;
	s2 =	simm.s32 @!p0 $0x1C02  }
0x143: {  	[timem:s3], [sflag:s2] =	dma.local @!p0 [hbm:s0], s1  }
0x144: {  	s0 =	simm.s32 @!p0 $0x2  }
0x145: {  	_ =	swait.ge @!p0 [sflag:s0], s1  }
0x146: {  	s1 =	ssub.s32 @!p0 $0x0, s1;
	[sflag:s0] =	ssyncset.done @!p0 $0x0  }
0x147: {  	[sflag:s0] =	ssyncadd.s32 @!p0 s1  }
0x148: {  	[bflag:$0x3] =	sbarrier.arrive $0xFFFF  }
0x149: {  	_ =	shalt  }

</sc_bundles>
